<compile_context>
chip_gen: v7x
topology: tpu7x:2x2x1
jax: 0.10.2.dev20260603
libtpu: 0.0.44.dev20260713+nightly
codegen_flags: <defaults>
</compile_context>

<pallas_src>
import functools

import jax
import jax.numpy as jnp
from jax import lax
from jax.experimental import pallas as pl
from jax.experimental.pallas import tpu as pltpu
from jax.experimental.pallas import tpu_sc as plsc

NUM_CORES = 2
NUM_SUBCORES = 16
NUM_WORKERS = NUM_CORES * NUM_SUBCORES
N_CHUNK = 2


def _make_emb_kernel(bsz, seq_len, d):
    pos_per_w = seq_len // NUM_WORKERS
    rows_c = pos_per_w // N_CHUNK
    mesh = plsc.VectorSubcoreMesh(core_axis_name="c", subcore_axis_name="s")

    @functools.partial(
        pl.kernel,
        out_type=jax.ShapeDtypeStruct((bsz * seq_len, d), jnp.float32),
        mesh=mesh,
        scratch_types=[
            pltpu.VMEM((bsz * pos_per_w,), jnp.int32),
            pltpu.VMEM((N_CHUNK, bsz, rows_c, d), jnp.float32),
            pltpu.VMEM((pos_per_w, d), jnp.float32),
            pltpu.SemaphoreType.DMA,
            pltpu.SemaphoreType.DMA,
            pltpu.SemaphoreType.DMA,
            pltpu.SemaphoreType.DMA,
        ],
    )
    def emb(ids_hbm, tok_hbm, pos_hbm, out_hbm, idx_v, rows_v, pos_v,
            sem_i, sem_p, sem_g, sem_o):
        wid = lax.axis_index("s") * NUM_CORES + lax.axis_index("c")
        p0 = wid * pos_per_w

        idx_cps = [
            pltpu.async_copy(
                ids_hbm.at[b, pl.ds(p0, pos_per_w)],
                idx_v.at[pl.ds(b * pos_per_w, pos_per_w)],
                sem_i,
            )
            for b in range(bsz)
        ]
        pos_cp = pltpu.async_copy(pos_hbm.at[pl.ds(p0, pos_per_w)], pos_v,
                                  sem_p)
        for cp in idx_cps:
            cp.wait()

        gathers = [
            [
                pltpu.async_copy(
                    tok_hbm.at[
                        idx_v.at[pl.ds(b * pos_per_w + h * rows_c, rows_c)]
                    ],
                    rows_v.at[h, b],
                    sem_g,
                )
                for b in range(bsz)
            ]
            for h in range(N_CHUNK)
        ]
        pos_cp.wait()

        writes = []
        for h in range(N_CHUNK):
            for cp in gathers[h]:
                cp.wait()

            def add_row(r, carry, h=h):
                pr = h * rows_c + r
                for j in range(d // 16):
                    sl = pl.ds(j * 16, 16)
                    pv = pos_v[pr, sl]
                    for b in range(bsz):
                        rows_v[h, b, r, sl] = rows_v[h, b, r, sl] + pv
                return carry

            lax.fori_loop(0, rows_c, add_row, 0)
            writes.extend(
                pltpu.async_copy(
                    rows_v.at[h, b],
                    out_hbm.at[pl.ds(b * seq_len + p0 + h * rows_c, rows_c)],
                    sem_o,
                )
                for b in range(bsz)
            )
        for w in writes:
            w.wait()

    return emb


def kernel(input_ids, token_table, pos_table):
    bsz, seq_len = input_ids.shape
    _, d = token_table.shape
    pos_per_w = seq_len // NUM_WORKERS
    assert seq_len % NUM_WORKERS == 0 and pos_per_w <= 128
    assert (pos_per_w // N_CHUNK) % 8 == 0 and d % 16 == 0

    ids = input_ids.astype(jnp.int32)
    emb = _make_emb_kernel(bsz, seq_len, d)
    out = emb(ids, token_table, pos_table)
    return out.reshape(bsz, seq_len, d)

# --- scband reference (transcript-rebuilt; emitter-appended) ---
"""Pipeline reference for scband-transformer-embedding-29446295781398 (READ-ONLY COPY).

The authoritative reference and input builder live on the scoring server;
editing this copy changes nothing except your own understanding.
"""

import jax, jax.numpy as jnp
import numpy as np

VOCAB_SIZE = 100000
N_EMBED = 128
MAX_SEQ_LEN = 2048
BATCH = 4
SEQ_LEN = 2048

def setup_inputs(seed: int = 0) -> dict:
    key = jax.random.key(seed)
    k1, k2, k3 = jax.random.split(key, 3)
    input_ids = jax.random.randint(k1, (BATCH, SEQ_LEN), 0, VOCAB_SIZE, dtype=jnp.int64 if jax.config.jax_enable_x64 else jnp.int32)
    token_table = jax.random.normal(k2, (VOCAB_SIZE, N_EMBED), dtype=jnp.float32) * 0.02
    pos_table = jax.random.normal(k3, (MAX_SEQ_LEN, N_EMBED), dtype=jnp.float32) * 0.02
    return {"input_ids": input_ids, "token_table": token_table, "pos_table": pos_table}

def reference(input_ids, token_table, pos_table):
    batch_size, seq_len = input_ids.shape
    positions = jnp.arange(seq_len, dtype=input_ids.dtype)
    positions = jnp.broadcast_to(positions[None, :], (batch_size, seq_len))
    token_emb = jnp.take(token_table, input_ids, axis=0)
    position_emb = jnp.take(pos_table, positions, axis=0)
    x = token_emb + position_emb
    # dropout is identity in inference/eval mode
    return x

if __name__ == "__main__":
    import jax
    _d = setup_inputs()
    print(jax.jit(kernel)(*tuple(_d.values())))

</pallas_src>

<mosaic_0001>
#map = affine_map<(d0, d1) -> (0, 0)>
module attributes {stable_mosaic.version = 14 : i64} {
  func.func @emb(%arg0: i32, %arg1: i32, %arg2: memref<4x2048xi32, #tpu.memory_space<hbm>>, %arg3: memref<100000x128xf32, #tpu.memory_space<hbm>>, %arg4: memref<2048x128xf32, #tpu.memory_space<hbm>>, %arg5: memref<8192x128xf32, #tpu.memory_space<hbm>>, %arg6: memref<256xi32, #tpu.memory_space<vmem>>, %arg7: memref<2x4x32x128xf32, #tpu.memory_space<vmem>>, %arg8: memref<64x128xf32, #tpu.memory_space<vmem>>, %arg9: memref<!tpu.dma_semaphore, #tpu.memory_space<semaphore_mem>>, %arg10: memref<!tpu.dma_semaphore, #tpu.memory_space<semaphore_mem>>, %arg11: memref<!tpu.dma_semaphore, #tpu.memory_space<semaphore_mem>>, %arg12: memref<!tpu.dma_semaphore, #tpu.memory_space<semaphore_mem>>) attributes {dimension_semantics = [#tpu.dimension_semantics<core_parallel>, #tpu.dimension_semantics<subcore_parallel>], iteration_bounds = array<i64: 2, 16>, scalar_prefetch = 0 : i64, scratch_operands = 7 : i64, tpu.core_type = #tpu.core_type<sc_vector_subcore>, window_params = [{transform_indices = #map}, {transform_indices = #map}, {transform_indices = #map}, {transform_indices = #map}]} {
    %mul3A = arith.constant 2 : i32
    %mul3A_0 = arith.muli %arg1, %mul3A : i32
    %add3A = arith.addi %mul3A_0, %arg0 : i32
    %mul3A_1 = arith.constant 64 : i32
    %mul3A_2 = arith.muli %add3A, %mul3A_1 : i32
    %dma_start3A = arith.constant 0 : i32
    %dma_start3A_3 = arith.constant 0 : i32
    %dma_start3A_4 = tpu.memref_slice %arg6[%dma_start3A_3] : memref<256xi32, #tpu.memory_space<vmem>> -> memref<64xi32, #tpu.memory_space<vmem>>
    %dma_start3A_5 = tpu.memref_slice %arg2[%dma_start3A, %mul3A_2] : memref<4x2048xi32, #tpu.memory_space<hbm>> -> memref<1x64xi32, #tpu.memory_space<hbm>>
    %dma_start3A_6 = tpu.memref_squeeze %dma_start3A_5 : memref<1x64xi32, #tpu.memory_space<hbm>> -> memref<64xi32, #tpu.memory_space<hbm>>
    %dma_start3A_7 = arith.constant 0 : i32
    %dma_start3A_8 = tpu.memref_slice %arg6[%dma_start3A_7] : memref<256xi32, #tpu.memory_space<vmem>> -> memref<64xi32, #tpu.memory_space<vmem>>
    %dma_start3A_9 = tpu.memref_slice %arg2[%dma_start3A, %mul3A_2] : memref<4x2048xi32, #tpu.memory_space<hbm>> -> memref<1x64xi32, #tpu.memory_space<hbm>>
    %dma_start3A_10 = tpu.memref_squeeze %dma_start3A_9 : memref<1x64xi32, #tpu.memory_space<hbm>> -> memref<64xi32, #tpu.memory_space<hbm>>
    tpu.enqueue_dma source(%dma_start3A_10 : memref<64xi32, #tpu.memory_space<hbm>>) target(%dma_start3A_8 : memref<64xi32, #tpu.memory_space<vmem>>) target_semaphore(%arg9 : memref<!tpu.dma_semaphore, #tpu.memory_space<semaphore_mem>>)
    %dma_start3A_11 = arith.constant 1 : i32
    %dma_start3A_12 = arith.constant 64 : i32
    %dma_start3A_13 = tpu.memref_slice %arg6[%dma_start3A_12] : memref<256xi32, #tpu.memory_space<vmem>> -> memref<64xi32, #tpu.memory_space<vmem>>
    %dma_start3A_14 = tpu.memref_slice %arg2[%dma_start3A_11, %mul3A_2] : memref<4x2048xi32, #tpu.memory_space<hbm>> -> memref<1x64xi32, #tpu.memory_space<hbm>>
    %dma_start3A_15 = tpu.memref_squeeze %dma_start3A_14 : memref<1x64xi32, #tpu.memory_space<hbm>> -> memref<64xi32, #tpu.memory_space<hbm>>
    %dma_start3A_16 = arith.constant 64 : i32
    %dma_start3A_17 = tpu.memref_slice %arg6[%dma_start3A_16] : memref<256xi32, #tpu.memory_space<vmem>> -> memref<64xi32, #tpu.memory_space<vmem>>
    %dma_start3A_18 = tpu.memref_slice %arg2[%dma_start3A_11, %mul3A_2] : memref<4x2048xi32, #tpu.memory_space<hbm>> -> memref<1x64xi32, #tpu.memory_space<hbm>>
    %dma_start3A_19 = tpu.memref_squeeze %dma_start3A_18 : memref<1x64xi32, #tpu.memory_space<hbm>> -> memref<64xi32, #tpu.memory_space<hbm>>
    tpu.enqueue_dma source(%dma_start3A_19 : memref<64xi32, #tpu.memory_space<hbm>>) target(%dma_start3A_17 : memref<64xi32, #tpu.memory_space<vmem>>) target_semaphore(%arg9 : memref<!tpu.dma_semaphore, #tpu.memory_space<semaphore_mem>>)
    %dma_start3A_20 = arith.constant 2 : i32
    %dma_start3A_21 = arith.constant 128 : i32
    %dma_start3A_22 = tpu.memref_slice %arg6[%dma_start3A_21] : memref<256xi32, #tpu.memory_space<vmem>> -> memref<64xi32, #tpu.memory_space<vmem>>
    %dma_start3A_23 = tpu.memref_slice %arg2[%dma_start3A_20, %mul3A_2] : memref<4x2048xi32, #tpu.memory_space<hbm>> -> memref<1x64xi32, #tpu.memory_space<hbm>>
    %dma_start3A_24 = tpu.memref_squeeze %dma_start3A_23 : memref<1x64xi32, #tpu.memory_space<hbm>> -> memref<64xi32, #tpu.memory_space<hbm>>
    %dma_start3A_25 = arith.constant 128 : i32
    %dma_start3A_26 = tpu.memref_slice %arg6[%dma_start3A_25] : memref<256xi32, #tpu.memory_space<vmem>> -> memref<64xi32, #tpu.memory_space<vmem>>
    %dma_start3A_27 = tpu.memref_slice %arg2[%dma_start3A_20, %mul3A_2] : memref<4x2048xi32, #tpu.memory_space<hbm>> -> memref<1x64xi32, #tpu.memory_space<hbm>>
    %dma_start3A_28 = tpu.memref_squeeze %dma_start3A_27 : memref<1x64xi32, #tpu.memory_space<hbm>> -> memref<64xi32, #tpu.memory_space<hbm>>
    tpu.enqueue_dma source(%dma_start3A_28 : memref<64xi32, #tpu.memory_space<hbm>>) target(%dma_start3A_26 : memref<64xi32, #tpu.memory_space<vmem>>) target_semaphore(%arg9 : memref<!tpu.dma_semaphore, #tpu.memory_space<semaphore_mem>>)
    %dma_start3A_29 = arith.constant 3 : i32
    %dma_start3A_30 = arith.constant 192 : i32
    %dma_start3A_31 = tpu.memref_slice %arg6[%dma_start3A_30] : memref<256xi32, #tpu.memory_space<vmem>> -> memref<64xi32, #tpu.memory_space<vmem>>
    %dma_start3A_32 = tpu.memref_slice %arg2[%dma_start3A_29, %mul3A_2] : memref<4x2048xi32, #tpu.memory_space<hbm>> -> memref<1x64xi32, #tpu.memory_space<hbm>>
    %dma_start3A_33 = tpu.memref_squeeze %dma_start3A_32 : memref<1x64xi32, #tpu.memory_space<hbm>> -> memref<64xi32, #tpu.memory_space<hbm>>
    %dma_start3A_34 = arith.constant 192 : i32
    %dma_start3A_35 = tpu.memref_slice %arg6[%dma_start3A_34] : memref<256xi32, #tpu.memory_space<vmem>> -> memref<64xi32, #tpu.memory_space<vmem>>
    %dma_start3A_36 = tpu.memref_slice %arg2[%dma_start3A_29, %mul3A_2] : memref<4x2048xi32, #tpu.memory_space<hbm>> -> memref<1x64xi32, #tpu.memory_space<hbm>>
    %dma_start3A_37 = tpu.memref_squeeze %dma_start3A_36 : memref<1x64xi32, #tpu.memory_space<hbm>> -> memref<64xi32, #tpu.memory_space<hbm>>
    tpu.enqueue_dma source(%dma_start3A_37 : memref<64xi32, #tpu.memory_space<hbm>>) target(%dma_start3A_35 : memref<64xi32, #tpu.memory_space<vmem>>) target_semaphore(%arg9 : memref<!tpu.dma_semaphore, #tpu.memory_space<semaphore_mem>>)
    %dma_start3A_38 = arith.constant 0 : i32
    %dma_start3A_39 = tpu.memref_slice %arg4[%mul3A_2, %dma_start3A_38] : memref<2048x128xf32, #tpu.memory_space<hbm>> -> memref<64x128xf32, #tpu.memory_space<hbm>>
    %dma_start3A_40 = arith.constant 0 : i32
    %dma_start3A_41 = tpu.memref_slice %arg4[%mul3A_2, %dma_start3A_40] : memref<2048x128xf32, #tpu.memory_space<hbm>> -> memref<64x128xf32, #tpu.memory_space<hbm>>
    tpu.enqueue_dma source(%dma_start3A_41 : memref<64x128xf32, #tpu.memory_space<hbm>>) target(%arg8 : memref<64x128xf32, #tpu.memory_space<vmem>>) target_semaphore(%arg10 : memref<!tpu.dma_semaphore, #tpu.memory_space<semaphore_mem>>)
    %dma_wait3A = arith.constant 0 : i32
    %dma_wait3A_42 = arith.constant 0 : i32
    %dma_wait3A_43 = tpu.memref_slice %arg6[%dma_wait3A_42] : memref<256xi32, #tpu.memory_space<vmem>> -> memref<64xi32, #tpu.memory_space<vmem>>
    %dma_wait3A_44 = tpu.memref_slice %arg2[%dma_wait3A, %mul3A_2] : memref<4x2048xi32, #tpu.memory_space<hbm>> -> memref<1x64xi32, #tpu.memory_space<hbm>>
    %dma_wait3A_45 = tpu.memref_squeeze %dma_wait3A_44 : memref<1x64xi32, #tpu.memory_space<hbm>> -> memref<64xi32, #tpu.memory_space<hbm>>
    %dma_wait3A_46 = arith.constant 0 : i32
    %dma_wait3A_47 = tpu.memref_slice %arg6[%dma_wait3A_46] : memref<256xi32, #tpu.memory_space<vmem>> -> memref<64xi32, #tpu.memory_space<vmem>>
    %dma_wait3A_48 = tpu.memref_slice %arg2[%dma_wait3A, %mul3A_2] : memref<4x2048xi32, #tpu.memory_space<hbm>> -> memref<1x64xi32, #tpu.memory_space<hbm>>
    %dma_wait3A_49 = tpu.memref_squeeze %dma_wait3A_48 : memref<1x64xi32, #tpu.memory_space<hbm>> -> memref<64xi32, #tpu.memory_space<hbm>>
    tpu.wait_dma2 semaphore(%arg9 : memref<!tpu.dma_semaphore, #tpu.memory_space<semaphore_mem>>) src(%dma_wait3A_49 : memref<64xi32, #tpu.memory_space<hbm>>) dst(%dma_wait3A_47 : memref<64xi32, #tpu.memory_space<vmem>>)
    %dma_wait3A_50 = arith.constant 1 : i32
    %dma_wait3A_51 = arith.constant 64 : i32
    %dma_wait3A_52 = tpu.memref_slice %arg6[%dma_wait3A_51] : memref<256xi32, #tpu.memory_space<vmem>> -> memref<64xi32, #tpu.memory_space<vmem>>
    %dma_wait3A_53 = tpu.memref_slice %arg2[%dma_wait3A_50, %mul3A_2] : memref<4x2048xi32, #tpu.memory_space<hbm>> -> memref<1x64xi32, #tpu.memory_space<hbm>>
    %dma_wait3A_54 = tpu.memref_squeeze %dma_wait3A_53 : memref<1x64xi32, #tpu.memory_space<hbm>> -> memref<64xi32, #tpu.memory_space<hbm>>
    %dma_wait3A_55 = arith.constant 64 : i32
    %dma_wait3A_56 = tpu.memref_slice %arg6[%dma_wait3A_55] : memref<256xi32, #tpu.memory_space<vmem>> -> memref<64xi32, #tpu.memory_space<vmem>>
    %dma_wait3A_57 = tpu.memref_slice %arg2[%dma_wait3A_50, %mul3A_2] : memref<4x2048xi32, #tpu.memory_space<hbm>> -> memref<1x64xi32, #tpu.memory_space<hbm>>
    %dma_wait3A_58 = tpu.memref_squeeze %dma_wait3A_57 : memref<1x64xi32, #tpu.memory_space<hbm>> -> memref<64xi32, #tpu.memory_space<hbm>>
    tpu.wait_dma2 semaphore(%arg9 : memref<!tpu.dma_semaphore, #tpu.memory_space<semaphore_mem>>) src(%dma_wait3A_58 : memref<64xi32, #tpu.memory_space<hbm>>) dst(%dma_wait3A_56 : memref<64xi32, #tpu.memory_space<vmem>>)
    %dma_wait3A_59 = arith.constant 2 : i32
    %dma_wait3A_60 = arith.constant 128 : i32
    %dma_wait3A_61 = tpu.memref_slice %arg6[%dma_wait3A_60] : memref<256xi32, #tpu.memory_space<vmem>> -> memref<64xi32, #tpu.memory_space<vmem>>
    %dma_wait3A_62 = tpu.memref_slice %arg2[%dma_wait3A_59, %mul3A_2] : memref<4x2048xi32, #tpu.memory_space<hbm>> -> memref<1x64xi32, #tpu.memory_space<hbm>>
    %dma_wait3A_63 = tpu.memref_squeeze %dma_wait3A_62 : memref<1x64xi32, #tpu.memory_space<hbm>> -> memref<64xi32, #tpu.memory_space<hbm>>
    %dma_wait3A_64 = arith.constant 128 : i32
    %dma_wait3A_65 = tpu.memref_slice %arg6[%dma_wait3A_64] : memref<256xi32, #tpu.memory_space<vmem>> -> memref<64xi32, #tpu.memory_space<vmem>>
    %dma_wait3A_66 = tpu.memref_slice %arg2[%dma_wait3A_59, %mul3A_2] : memref<4x2048xi32, #tpu.memory_space<hbm>> -> memref<1x64xi32, #tpu.memory_space<hbm>>
    %dma_wait3A_67 = tpu.memref_squeeze %dma_wait3A_66 : memref<1x64xi32, #tpu.memory_space<hbm>> -> memref<64xi32, #tpu.memory_space<hbm>>
    tpu.wait_dma2 semaphore(%arg9 : memref<!tpu.dma_semaphore, #tpu.memory_space<semaphore_mem>>) src(%dma_wait3A_67 : memref<64xi32, #tpu.memory_space<hbm>>) dst(%dma_wait3A_65 : memref<64xi32, #tpu.memory_space<vmem>>)
    %dma_wait3A_68 = arith.constant 3 : i32
    %dma_wait3A_69 = arith.constant 192 : i32
    %dma_wait3A_70 = tpu.memref_slice %arg6[%dma_wait3A_69] : memref<256xi32, #tpu.memory_space<vmem>> -> memref<64xi32, #tpu.memory_space<vmem>>
    %dma_wait3A_71 = tpu.memref_slice %arg2[%dma_wait3A_68, %mul3A_2] : memref<4x2048xi32, #tpu.memory_space<hbm>> -> memref<1x64xi32, #tpu.memory_space<hbm>>
    %dma_wait3A_72 = tpu.memref_squeeze %dma_wait3A_71 : memref<1x64xi32, #tpu.memory_space<hbm>> -> memref<64xi32, #tpu.memory_space<hbm>>
    %dma_wait3A_73 = arith.constant 192 : i32
    %dma_wait3A_74 = tpu.memref_slice %arg6[%dma_wait3A_73] : memref<256xi32, #tpu.memory_space<vmem>> -> memref<64xi32, #tpu.memory_space<vmem>>
    %dma_wait3A_75 = tpu.memref_slice %arg2[%dma_wait3A_68, %mul3A_2] : memref<4x2048xi32, #tpu.memory_space<hbm>> -> memref<1x64xi32, #tpu.memory_space<hbm>>
    %dma_wait3A_76 = tpu.memref_squeeze %dma_wait3A_75 : memref<1x64xi32, #tpu.memory_space<hbm>> -> memref<64xi32, #tpu.memory_space<hbm>>
    tpu.wait_dma2 semaphore(%arg9 : memref<!tpu.dma_semaphore, #tpu.memory_space<semaphore_mem>>) src(%dma_wait3A_76 : memref<64xi32, #tpu.memory_space<hbm>>) dst(%dma_wait3A_74 : memref<64xi32, #tpu.memory_space<vmem>>)
    %dma_start3A_77 = arith.constant 0 : i32
    %dma_start3A_78 = arith.constant 0 : i32
    %dma_start3A_79 = arith.constant 0 : i32
    %dma_start3A_80 = arith.constant 0 : i32
    %dma_start3A_81 = tpu.memref_slice %arg7[%dma_start3A_77, %dma_start3A_78, %dma_start3A_79, %dma_start3A_80] : memref<2x4x32x128xf32, #tpu.memory_space<vmem>> -> memref<1x1x32x128xf32, #tpu.memory_space<vmem>>
    %dma_start3A_82 = tpu.memref_squeeze %dma_start3A_81 : memref<1x1x32x128xf32, #tpu.memory_space<vmem>> -> memref<32x128xf32, #tpu.memory_space<vmem>>
    %dma_start3A_83 = arith.constant 0 : i32
    %dma_start3A_84 = tpu.memref_slice %arg6[%dma_start3A_83] : memref<256xi32, #tpu.memory_space<vmem>> -> memref<32xi32, #tpu.memory_space<vmem>>
    %dma_start3A_85 = arith.constant 0 : i32
    %dma_start3A_86 = arith.constant 0 : i32
    %dma_start3A_87 = tpu.memref_slice %arg3[%dma_start3A_85, %dma_start3A_86] : memref<100000x128xf32, #tpu.memory_space<hbm>> -> memref<100000x128xf32, #tpu.memory_space<hbm>>
    tpu.enqueue_indirect_dma source(%dma_start3A_87 : memref<100000x128xf32, #tpu.memory_space<hbm>>) target(%dma_start3A_82 : memref<32x128xf32, #tpu.memory_space<vmem>>) offsets(%dma_start3A_84 : memref<32xi32, #tpu.memory_space<vmem>>) semaphore(%arg11 : memref<!tpu.dma_semaphore, #tpu.memory_space<semaphore_mem>>)
    %dma_start3A_88 = arith.constant 0 : i32
    %dma_start3A_89 = arith.constant 1 : i32
    %dma_start3A_90 = arith.constant 0 : i32
    %dma_start3A_91 = arith.constant 0 : i32
    %dma_start3A_92 = tpu.memref_slice %arg7[%dma_start3A_88, %dma_start3A_89, %dma_start3A_90, %dma_start3A_91] : memref<2x4x32x128xf32, #tpu.memory_space<vmem>> -> memref<1x1x32x128xf32, #tpu.memory_space<vmem>>
    %dma_start3A_93 = tpu.memref_squeeze %dma_start3A_92 : memref<1x1x32x128xf32, #tpu.memory_space<vmem>> -> memref<32x128xf32, #tpu.memory_space<vmem>>
    %dma_start3A_94 = arith.constant 64 : i32
    %dma_start3A_95 = tpu.memref_slice %arg6[%dma_start3A_94] : memref<256xi32, #tpu.memory_space<vmem>> -> memref<32xi32, #tpu.memory_space<vmem>>
    %dma_start3A_96 = arith.constant 0 : i32
    %dma_start3A_97 = arith.constant 0 : i32
    %dma_start3A_98 = tpu.memref_slice %arg3[%dma_start3A_96, %dma_start3A_97] : memref<100000x128xf32, #tpu.memory_space<hbm>> -> memref<100000x128xf32, #tpu.memory_space<hbm>>
    tpu.enqueue_indirect_dma source(%dma_start3A_98 : memref<100000x128xf32, #tpu.memory_space<hbm>>) target(%dma_start3A_93 : memref<32x128xf32, #tpu.memory_space<vmem>>) offsets(%dma_start3A_95 : memref<32xi32, #tpu.memory_space<vmem>>) semaphore(%arg11 : memref<!tpu.dma_semaphore, #tpu.memory_space<semaphore_mem>>)
    %dma_start3A_99 = arith.constant 0 : i32
    %dma_start3A_100 = arith.constant 2 : i32
    %dma_start3A_101 = arith.constant 0 : i32
    %dma_start3A_102 = arith.constant 0 : i32
    %dma_start3A_103 = tpu.memref_slice %arg7[%dma_start3A_99, %dma_start3A_100, %dma_start3A_101, %dma_start3A_102] : memref<2x4x32x128xf32, #tpu.memory_space<vmem>> -> memref<1x1x32x128xf32, #tpu.memory_space<vmem>>
    %dma_start3A_104 = tpu.memref_squeeze %dma_start3A_103 : memref<1x1x32x128xf32, #tpu.memory_space<vmem>> -> memref<32x128xf32, #tpu.memory_space<vmem>>
    %dma_start3A_105 = arith.constant 128 : i32
    %dma_start3A_106 = tpu.memref_slice %arg6[%dma_start3A_105] : memref<256xi32, #tpu.memory_space<vmem>> -> memref<32xi32, #tpu.memory_space<vmem>>
    %dma_start3A_107 = arith.constant 0 : i32
    %dma_start3A_108 = arith.constant 0 : i32
    %dma_start3A_109 = tpu.memref_slice %arg3[%dma_start3A_107, %dma_start3A_108] : memref<100000x128xf32, #tpu.memory_space<hbm>> -> memref<100000x128xf32, #tpu.memory_space<hbm>>
    tpu.enqueue_indirect_dma source(%dma_start3A_109 : memref<100000x128xf32, #tpu.memory_space<hbm>>) target(%dma_start3A_104 : memref<32x128xf32, #tpu.memory_space<vmem>>) offsets(%dma_start3A_106 : memref<32xi32, #tpu.memory_space<vmem>>) semaphore(%arg11 : memref<!tpu.dma_semaphore, #tpu.memory_space<semaphore_mem>>)
    %dma_start3A_110 = arith.constant 0 : i32
    %dma_start3A_111 = arith.constant 3 : i32
    %dma_start3A_112 = arith.constant 0 : i32
    %dma_start3A_113 = arith.constant 0 : i32
    %dma_start3A_114 = tpu.memref_slice %arg7[%dma_start3A_110, %dma_start3A_111, %dma_start3A_112, %dma_start3A_113] : memref<2x4x32x128xf32, #tpu.memory_space<vmem>> -> memref<1x1x32x128xf32, #tpu.memory_space<vmem>>
    %dma_start3A_115 = tpu.memref_squeeze %dma_start3A_114 : memref<1x1x32x128xf32, #tpu.memory_space<vmem>> -> memref<32x128xf32, #tpu.memory_space<vmem>>
    %dma_start3A_116 = arith.constant 192 : i32
    %dma_start3A_117 = tpu.memref_slice %arg6[%dma_start3A_116] : memref<256xi32, #tpu.memory_space<vmem>> -> memref<32xi32, #tpu.memory_space<vmem>>
    %dma_start3A_118 = arith.constant 0 : i32
    %dma_start3A_119 = arith.constant 0 : i32
    %dma_start3A_120 = tpu.memref_slice %arg3[%dma_start3A_118, %dma_start3A_119] : memref<100000x128xf32, #tpu.memory_space<hbm>> -> memref<100000x128xf32, #tpu.memory_space<hbm>>
    tpu.enqueue_indirect_dma source(%dma_start3A_120 : memref<100000x128xf32, #tpu.memory_space<hbm>>) target(%dma_start3A_115 : memref<32x128xf32, #tpu.memory_space<vmem>>) offsets(%dma_start3A_117 : memref<32xi32, #tpu.memory_space<vmem>>) semaphore(%arg11 : memref<!tpu.dma_semaphore, #tpu.memory_space<semaphore_mem>>)
    %dma_start3A_121 = arith.constant 1 : i32
    %dma_start3A_122 = arith.constant 0 : i32
    %dma_start3A_123 = arith.constant 0 : i32
    %dma_start3A_124 = arith.constant 0 : i32
    %dma_start3A_125 = tpu.memref_slice %arg7[%dma_start3A_121, %dma_start3A_122, %dma_start3A_123, %dma_start3A_124] : memref<2x4x32x128xf32, #tpu.memory_space<vmem>> -> memref<1x1x32x128xf32, #tpu.memory_space<vmem>>
    %dma_start3A_126 = tpu.memref_squeeze %dma_start3A_125 : memref<1x1x32x128xf32, #tpu.memory_space<vmem>> -> memref<32x128xf32, #tpu.memory_space<vmem>>
    %dma_start3A_127 = arith.constant 32 : i32
    %dma_start3A_128 = tpu.memref_slice %arg6[%dma_start3A_127] : memref<256xi32, #tpu.memory_space<vmem>> -> memref<32xi32, #tpu.memory_space<vmem>>
    %dma_start3A_129 = arith.constant 0 : i32
    %dma_start3A_130 = arith.constant 0 : i32
    %dma_start3A_131 = tpu.memref_slice %arg3[%dma_start3A_129, %dma_start3A_130] : memref<100000x128xf32, #tpu.memory_space<hbm>> -> memref<100000x128xf32, #tpu.memory_space<hbm>>
    tpu.enqueue_indirect_dma source(%dma_start3A_131 : memref<100000x128xf32, #tpu.memory_space<hbm>>) target(%dma_start3A_126 : memref<32x128xf32, #tpu.memory_space<vmem>>) offsets(%dma_start3A_128 : memref<32xi32, #tpu.memory_space<vmem>>) semaphore(%arg11 : memref<!tpu.dma_semaphore, #tpu.memory_space<semaphore_mem>>)
    %dma_start3A_132 = arith.constant 1 : i32
    %dma_start3A_133 = arith.constant 1 : i32
    %dma_start3A_134 = arith.constant 0 : i32
    %dma_start3A_135 = arith.constant 0 : i32
    %dma_start3A_136 = tpu.memref_slice %arg7[%dma_start3A_132, %dma_start3A_133, %dma_start3A_134, %dma_start3A_135] : memref<2x4x32x128xf32, #tpu.memory_space<vmem>> -> memref<1x1x32x128xf32, #tpu.memory_space<vmem>>
    %dma_start3A_137 = tpu.memref_squeeze %dma_start3A_136 : memref<1x1x32x128xf32, #tpu.memory_space<vmem>> -> memref<32x128xf32, #tpu.memory_space<vmem>>
    %dma_start3A_138 = arith.constant 96 : i32
    %dma_start3A_139 = tpu.memref_slice %arg6[%dma_start3A_138] : memref<256xi32, #tpu.memory_space<vmem>> -> memref<32xi32, #tpu.memory_space<vmem>>
    %dma_start3A_140 = arith.constant 0 : i32
    %dma_start3A_141 = arith.constant 0 : i32
    %dma_start3A_142 = tpu.memref_slice %arg3[%dma_start3A_140, %dma_start3A_141] : memref<100000x128xf32, #tpu.memory_space<hbm>> -> memref<100000x128xf32, #tpu.memory_space<hbm>>
    tpu.enqueue_indirect_dma source(%dma_start3A_142 : memref<100000x128xf32, #tpu.memory_space<hbm>>) target(%dma_start3A_137 : memref<32x128xf32, #tpu.memory_space<vmem>>) offsets(%dma_start3A_139 : memref<32xi32, #tpu.memory_space<vmem>>) semaphore(%arg11 : memref<!tpu.dma_semaphore, #tpu.memory_space<semaphore_mem>>)
    %dma_start3A_143 = arith.constant 1 : i32
    %dma_start3A_144 = arith.constant 2 : i32
    %dma_start3A_145 = arith.constant 0 : i32
    %dma_start3A_146 = arith.constant 0 : i32
    %dma_start3A_147 = tpu.memref_slice %arg7[%dma_start3A_143, %dma_start3A_144, %dma_start3A_145, %dma_start3A_146] : memref<2x4x32x128xf32, #tpu.memory_space<vmem>> -> memref<1x1x32x128xf32, #tpu.memory_space<vmem>>
    %dma_start3A_148 = tpu.memref_squeeze %dma_start3A_147 : memref<1x1x32x128xf32, #tpu.memory_space<vmem>> -> memref<32x128xf32, #tpu.memory_space<vmem>>
    %dma_start3A_149 = arith.constant 160 : i32
    %dma_start3A_150 = tpu.memref_slice %arg6[%dma_start3A_149] : memref<256xi32, #tpu.memory_space<vmem>> -> memref<32xi32, #tpu.memory_space<vmem>>
    %dma_start3A_151 = arith.constant 0 : i32
    %dma_start3A_152 = arith.constant 0 : i32
    %dma_start3A_153 = tpu.memref_slice %arg3[%dma_start3A_151, %dma_start3A_152] : memref<100000x128xf32, #tpu.memory_space<hbm>> -> memref<100000x128xf32, #tpu.memory_space<hbm>>
    tpu.enqueue_indirect_dma source(%dma_start3A_153 : memref<100000x128xf32, #tpu.memory_space<hbm>>) target(%dma_start3A_148 : memref<32x128xf32, #tpu.memory_space<vmem>>) offsets(%dma_start3A_150 : memref<32xi32, #tpu.memory_space<vmem>>) semaphore(%arg11 : memref<!tpu.dma_semaphore, #tpu.memory_space<semaphore_mem>>)
    %dma_start3A_154 = arith.constant 1 : i32
    %dma_start3A_155 = arith.constant 3 : i32
    %dma_start3A_156 = arith.constant 0 : i32
    %dma_start3A_157 = arith.constant 0 : i32
    %dma_start3A_158 = tpu.memref_slice %arg7[%dma_start3A_154, %dma_start3A_155, %dma_start3A_156, %dma_start3A_157] : memref<2x4x32x128xf32, #tpu.memory_space<vmem>> -> memref<1x1x32x128xf32, #tpu.memory_space<vmem>>
    %dma_start3A_159 = tpu.memref_squeeze %dma_start3A_158 : memref<1x1x32x128xf32, #tpu.memory_space<vmem>> -> memref<32x128xf32, #tpu.memory_space<vmem>>
    %dma_start3A_160 = arith.constant 224 : i32
    %dma_start3A_161 = tpu.memref_slice %arg6[%dma_start3A_160] : memref<256xi32, #tpu.memory_space<vmem>> -> memref<32xi32, #tpu.memory_space<vmem>>
    %dma_start3A_162 = arith.constant 0 : i32
    %dma_start3A_163 = arith.constant 0 : i32
    %dma_start3A_164 = tpu.memref_slice %arg3[%dma_start3A_162, %dma_start3A_163] : memref<100000x128xf32, #tpu.memory_space<hbm>> -> memref<100000x128xf32, #tpu.memory_space<hbm>>
    tpu.enqueue_indirect_dma source(%dma_start3A_164 : memref<100000x128xf32, #tpu.memory_space<hbm>>) target(%dma_start3A_159 : memref<32x128xf32, #tpu.memory_space<vmem>>) offsets(%dma_start3A_161 : memref<32xi32, #tpu.memory_space<vmem>>) semaphore(%arg11 : memref<!tpu.dma_semaphore, #tpu.memory_space<semaphore_mem>>)
    %dma_wait3A_165 = arith.constant 0 : i32
    %dma_wait3A_166 = tpu.memref_slice %arg4[%mul3A_2, %dma_wait3A_165] : memref<2048x128xf32, #tpu.memory_space<hbm>> -> memref<64x128xf32, #tpu.memory_space<hbm>>
    %dma_wait3A_167 = arith.constant 0 : i32
    %dma_wait3A_168 = tpu.memref_slice %arg4[%mul3A_2, %dma_wait3A_167] : memref<2048x128xf32, #tpu.memory_space<hbm>> -> memref<64x128xf32, #tpu.memory_space<hbm>>
    tpu.wait_dma2 semaphore(%arg10 : memref<!tpu.dma_semaphore, #tpu.memory_space<semaphore_mem>>) src(%dma_wait3A_168 : memref<64x128xf32, #tpu.memory_space<hbm>>) dst(%arg8 : memref<64x128xf32, #tpu.memory_space<vmem>>)
    %dma_wait3A_169 = arith.constant 0 : i32
    %dma_wait3A_170 = arith.constant 0 : i32
    %dma_wait3A_171 = arith.constant 0 : i32
    %dma_wait3A_172 = arith.constant 0 : i32
    %dma_wait3A_173 = tpu.memref_slice %arg7[%dma_wait3A_169, %dma_wait3A_170, %dma_wait3A_171, %dma_wait3A_172] : memref<2x4x32x128xf32, #tpu.memory_space<vmem>> -> memref<1x1x32x128xf32, #tpu.memory_space<vmem>>
    %dma_wait3A_174 = tpu.memref_squeeze %dma_wait3A_173 : memref<1x1x32x128xf32, #tpu.memory_space<vmem>> -> memref<32x128xf32, #tpu.memory_space<vmem>>
    %dma_wait3A_175 = arith.constant 0 : i32
    %dma_wait3A_176 = tpu.memref_slice %arg6[%dma_wait3A_175] : memref<256xi32, #tpu.memory_space<vmem>> -> memref<32xi32, #tpu.memory_space<vmem>>
    %dma_wait3A_177 = arith.constant 0 : i32
    %dma_wait3A_178 = arith.constant 0 : i32
    %dma_wait3A_179 = tpu.memref_slice %arg3[%dma_wait3A_177, %dma_wait3A_178] : memref<100000x128xf32, #tpu.memory_space<hbm>> -> memref<100000x128xf32, #tpu.memory_space<hbm>>
    tpu.wait_indirect_dma semaphore(%arg11 : memref<!tpu.dma_semaphore, #tpu.memory_space<semaphore_mem>>) src(%dma_wait3A_179 : memref<100000x128xf32, #tpu.memory_space<hbm>>) dst(%dma_wait3A_174 : memref<32x128xf32, #tpu.memory_space<vmem>>)
    %dma_wait3A_180 = arith.constant 0 : i32
    %dma_wait3A_181 = arith.constant 1 : i32
    %dma_wait3A_182 = arith.constant 0 : i32
    %dma_wait3A_183 = arith.constant 0 : i32
    %dma_wait3A_184 = tpu.memref_slice %arg7[%dma_wait3A_180, %dma_wait3A_181, %dma_wait3A_182, %dma_wait3A_183] : memref<2x4x32x128xf32, #tpu.memory_space<vmem>> -> memref<1x1x32x128xf32, #tpu.memory_space<vmem>>
    %dma_wait3A_185 = tpu.memref_squeeze %dma_wait3A_184 : memref<1x1x32x128xf32, #tpu.memory_space<vmem>> -> memref<32x128xf32, #tpu.memory_space<vmem>>
    %dma_wait3A_186 = arith.constant 64 : i32
    %dma_wait3A_187 = tpu.memref_slice %arg6[%dma_wait3A_186] : memref<256xi32, #tpu.memory_space<vmem>> -> memref<32xi32, #tpu.memory_space<vmem>>
    %dma_wait3A_188 = arith.constant 0 : i32
    %dma_wait3A_189 = arith.constant 0 : i32
    %dma_wait3A_190 = tpu.memref_slice %arg3[%dma_wait3A_188, %dma_wait3A_189] : memref<100000x128xf32, #tpu.memory_space<hbm>> -> memref<100000x128xf32, #tpu.memory_space<hbm>>
    tpu.wait_indirect_dma semaphore(%arg11 : memref<!tpu.dma_semaphore, #tpu.memory_space<semaphore_mem>>) src(%dma_wait3A_190 : memref<100000x128xf32, #tpu.memory_space<hbm>>) dst(%dma_wait3A_185 : memref<32x128xf32, #tpu.memory_space<vmem>>)
    %dma_wait3A_191 = arith.constant 0 : i32
    %dma_wait3A_192 = arith.constant 2 : i32
    %dma_wait3A_193 = arith.constant 0 : i32
    %dma_wait3A_194 = arith.constant 0 : i32
    %dma_wait3A_195 = tpu.memref_slice %arg7[%dma_wait3A_191, %dma_wait3A_192, %dma_wait3A_193, %dma_wait3A_194] : memref<2x4x32x128xf32, #tpu.memory_space<vmem>> -> memref<1x1x32x128xf32, #tpu.memory_space<vmem>>
    %dma_wait3A_196 = tpu.memref_squeeze %dma_wait3A_195 : memref<1x1x32x128xf32, #tpu.memory_space<vmem>> -> memref<32x128xf32, #tpu.memory_space<vmem>>
    %dma_wait3A_197 = arith.constant 128 : i32
    %dma_wait3A_198 = tpu.memref_slice %arg6[%dma_wait3A_197] : memref<256xi32, #tpu.memory_space<vmem>> -> memref<32xi32, #tpu.memory_space<vmem>>
    %dma_wait3A_199 = arith.constant 0 : i32
    %dma_wait3A_200 = arith.constant 0 : i32
    %dma_wait3A_201 = tpu.memref_slice %arg3[%dma_wait3A_199, %dma_wait3A_200] : memref<100000x128xf32, #tpu.memory_space<hbm>> -> memref<100000x128xf32, #tpu.memory_space<hbm>>
    tpu.wait_indirect_dma semaphore(%arg11 : memref<!tpu.dma_semaphore, #tpu.memory_space<semaphore_mem>>) src(%dma_wait3A_201 : memref<100000x128xf32, #tpu.memory_space<hbm>>) dst(%dma_wait3A_196 : memref<32x128xf32, #tpu.memory_space<vmem>>)
    %dma_wait3A_202 = arith.constant 0 : i32
    %dma_wait3A_203 = arith.constant 3 : i32
    %dma_wait3A_204 = arith.constant 0 : i32
    %dma_wait3A_205 = arith.constant 0 : i32
    %dma_wait3A_206 = tpu.memref_slice %arg7[%dma_wait3A_202, %dma_wait3A_203, %dma_wait3A_204, %dma_wait3A_205] : memref<2x4x32x128xf32, #tpu.memory_space<vmem>> -> memref<1x1x32x128xf32, #tpu.memory_space<vmem>>
    %dma_wait3A_207 = tpu.memref_squeeze %dma_wait3A_206 : memref<1x1x32x128xf32, #tpu.memory_space<vmem>> -> memref<32x128xf32, #tpu.memory_space<vmem>>
    %dma_wait3A_208 = arith.constant 192 : i32
    %dma_wait3A_209 = tpu.memref_slice %arg6[%dma_wait3A_208] : memref<256xi32, #tpu.memory_space<vmem>> -> memref<32xi32, #tpu.memory_space<vmem>>
    %dma_wait3A_210 = arith.constant 0 : i32
    %dma_wait3A_211 = arith.constant 0 : i32
    %dma_wait3A_212 = tpu.memref_slice %arg3[%dma_wait3A_210, %dma_wait3A_211] : memref<100000x128xf32, #tpu.memory_space<hbm>> -> memref<100000x128xf32, #tpu.memory_space<hbm>>
    tpu.wait_indirect_dma semaphore(%arg11 : memref<!tpu.dma_semaphore, #tpu.memory_space<semaphore_mem>>) src(%dma_wait3A_212 : memref<100000x128xf32, #tpu.memory_space<hbm>>) dst(%dma_wait3A_207 : memref<32x128xf32, #tpu.memory_space<vmem>>)
    %scan3A = arith.constant 0 : i32
    %scan3A_213 = arith.constant 0 : i32
    %scan3A_214 = arith.constant 32 : i32
    %scan3A_215 = arith.addi %scan3A_213, %scan3A_214 : i32
    %scan3A_216 = arith.constant 1 : i32
    scf.for %scan3A_524 = %scan3A_213 to %scan3A_215 step %scan3A_216  : i32 {
      %add3A_525 = arith.constant 0 : i32
      %add3A_526 = arith.addi %add3A_525, %scan3A_524 : i32
      %get3A = arith.index_cast %add3A_526 : i32 to index
      %get3A_527 = arith.constant 0 : index
      %get3A_528 = tpu.vector_load %arg8[%get3A, %get3A_527] {strides = array<i32>} : memref<64x128xf32, #tpu.memory_space<vmem>>, vector<1x16xf32>,
      %get3A_529 = vector.shape_cast %get3A_528 : vector<1x16xf32> to vector<16xf32>
      %get3A_530 = arith.constant 0 : i32
      %get3A_531 = arith.constant 0 : i32
      %get3A_532 = arith.index_cast %get3A_530 : i32 to index
      %get3A_533 = arith.index_cast %get3A_531 : i32 to index
      %get3A_534 = arith.index_cast %scan3A_524 : i32 to index
      %get3A_535 = arith.constant 0 : index
      %get3A_536 = tpu.vector_load %arg7[%get3A_532, %get3A_533, %get3A_534, %get3A_535] {strides = array<i32>} : memref<2x4x32x128xf32, #tpu.memory_space<vmem>>, vector<1x1x1x16xf32>,
      %get3A_537 = vector.shape_cast %get3A_536 : vector<1x1x1x16xf32> to vector<16xf32>
      %add3A_538 = arith.addf %get3A_537, %get3A_529 : vector<16xf32>
      %swap3A = arith.constant 0 : i32
      %swap3A_539 = arith.constant 0 : i32
      %swap3A_540 = arith.index_cast %swap3A : i32 to index
      %swap3A_541 = arith.index_cast %swap3A_539 : i32 to index
      %swap3A_542 = arith.index_cast %scan3A_524 : i32 to index
      %swap3A_543 = arith.constant 0 : index
      %swap3A_544 = tpu.vector_load %arg7[%swap3A_540, %swap3A_541, %swap3A_542, %swap3A_543] {strides = array<i32>} : memref<2x4x32x128xf32, #tpu.memory_space<vmem>>, vector<1x1x1x16xf32>,
      %swap3A_545 = vector.shape_cast %swap3A_544 : vector<1x1x1x16xf32> to vector<16xf32>
      %swap3A_546 = vector.shape_cast %add3A_538 : vector<16xf32> to vector<1x1x1x16xf32>
      tpu.vector_store %arg7[%swap3A_540, %swap3A_541, %swap3A_542, %swap3A_543], %swap3A_546 {strides = array<i32>} : memref<2x4x32x128xf32, #tpu.memory_space<vmem>>, vector<1x1x1x16xf32>,
      %get3A_547 = arith.constant 0 : i32
      %get3A_548 = arith.constant 1 : i32
      %get3A_549 = arith.index_cast %get3A_547 : i32 to index
      %get3A_550 = arith.index_cast %get3A_548 : i32 to index
      %get3A_551 = arith.index_cast %scan3A_524 : i32 to index
      %get3A_552 = arith.constant 0 : index
      %get3A_553 = tpu.vector_load %arg7[%get3A_549, %get3A_550, %get3A_551, %get3A_552] {strides = array<i32>} : memref<2x4x32x128xf32, #tpu.memory_space<vmem>>, vector<1x1x1x16xf32>,
      %get3A_554 = vector.shape_cast %get3A_553 : vector<1x1x1x16xf32> to vector<16xf32>
      %add3A_555 = arith.addf %get3A_554, %get3A_529 : vector<16xf32>
      %swap3A_556 = arith.constant 0 : i32
      %swap3A_557 = arith.constant 1 : i32
      %swap3A_558 = arith.index_cast %swap3A_556 : i32 to index
      %swap3A_559 = arith.index_cast %swap3A_557 : i32 to index
      %swap3A_560 = arith.index_cast %scan3A_524 : i32 to index
      %swap3A_561 = arith.constant 0 : index
      %swap3A_562 = tpu.vector_load %arg7[%swap3A_558, %swap3A_559, %swap3A_560, %swap3A_561] {strides = array<i32>} : memref<2x4x32x128xf32, #tpu.memory_space<vmem>>, vector<1x1x1x16xf32>,
      %swap3A_563 = vector.shape_cast %swap3A_562 : vector<1x1x1x16xf32> to vector<16xf32>
      %swap3A_564 = vector.shape_cast %add3A_555 : vector<16xf32> to vector<1x1x1x16xf32>
      tpu.vector_store %arg7[%swap3A_558, %swap3A_559, %swap3A_560, %swap3A_561], %swap3A_564 {strides = array<i32>} : memref<2x4x32x128xf32, #tpu.memory_space<vmem>>, vector<1x1x1x16xf32>,
      %get3A_565 = arith.constant 0 : i32
      %get3A_566 = arith.constant 2 : i32
      %get3A_567 = arith.index_cast %get3A_565 : i32 to index
      %get3A_568 = arith.index_cast %get3A_566 : i32 to index
      %get3A_569 = arith.index_cast %scan3A_524 : i32 to index
      %get3A_570 = arith.constant 0 : index
      %get3A_571 = tpu.vector_load %arg7[%get3A_567, %get3A_568, %get3A_569, %get3A_570] {strides = array<i32>} : memref<2x4x32x128xf32, #tpu.memory_space<vmem>>, vector<1x1x1x16xf32>,
      %get3A_572 = vector.shape_cast %get3A_571 : vector<1x1x1x16xf32> to vector<16xf32>
      %add3A_573 = arith.addf %get3A_572, %get3A_529 : vector<16xf32>
      %swap3A_574 = arith.constant 0 : i32
      %swap3A_575 = arith.constant 2 : i32
      %swap3A_576 = arith.index_cast %swap3A_574 : i32 to index
      %swap3A_577 = arith.index_cast %swap3A_575 : i32 to index
      %swap3A_578 = arith.index_cast %scan3A_524 : i32 to index
      %swap3A_579 = arith.constant 0 : index
      %swap3A_580 = tpu.vector_load %arg7[%swap3A_576, %swap3A_577, %swap3A_578, %swap3A_579] {strides = array<i32>} : memref<2x4x32x128xf32, #tpu.memory_space<vmem>>, vector<1x1x1x16xf32>,
      %swap3A_581 = vector.shape_cast %swap3A_580 : vector<1x1x1x16xf32> to vector<16xf32>
      %swap3A_582 = vector.shape_cast %add3A_573 : vector<16xf32> to vector<1x1x1x16xf32>
      tpu.vector_store %arg7[%swap3A_576, %swap3A_577, %swap3A_578, %swap3A_579], %swap3A_582 {strides = array<i32>} : memref<2x4x32x128xf32, #tpu.memory_space<vmem>>, vector<1x1x1x16xf32>,
      %get3A_583 = arith.constant 0 : i32
      %get3A_584 = arith.constant 3 : i32
      %get3A_585 = arith.index_cast %get3A_583 : i32 to index
      %get3A_586 = arith.index_cast %get3A_584 : i32 to index
      %get3A_587 = arith.index_cast %scan3A_524 : i32 to index
      %get3A_588 = arith.constant 0 : index
      %get3A_589 = tpu.vector_load %arg7[%get3A_585, %get3A_586, %get3A_587, %get3A_588] {strides = array<i32>} : memref<2x4x32x128xf32, #tpu.memory_space<vmem>>, vector<1x1x1x16xf32>,
      %get3A_590 = vector.shape_cast %get3A_589 : vector<1x1x1x16xf32> to vector<16xf32>
      %add3A_591 = arith.addf %get3A_590, %get3A_529 : vector<16xf32>
      %swap3A_592 = arith.constant 0 : i32
      %swap3A_593 = arith.constant 3 : i32
      %swap3A_594 = arith.index_cast %swap3A_592 : i32 to index
      %swap3A_595 = arith.index_cast %swap3A_593 : i32 to index
      %swap3A_596 = arith.index_cast %scan3A_524 : i32 to index
      %swap3A_597 = arith.constant 0 : index
      %swap3A_598 = tpu.vector_load %arg7[%swap3A_594, %swap3A_595, %swap3A_596, %swap3A_597] {strides = array<i32>} : memref<2x4x32x128xf32, #tpu.memory_space<vmem>>, vector<1x1x1x16xf32>,
      %swap3A_599 = vector.shape_cast %swap3A_598 : vector<1x1x1x16xf32> to vector<16xf32>
      %swap3A_600 = vector.shape_cast %add3A_591 : vector<16xf32> to vector<1x1x1x16xf32>
      tpu.vector_store %arg7[%swap3A_594, %swap3A_595, %swap3A_596, %swap3A_597], %swap3A_600 {strides = array<i32>} : memref<2x4x32x128xf32, #tpu.memory_space<vmem>>, vector<1x1x1x16xf32>,
      %get3A_601 = arith.index_cast %add3A_526 : i32 to index
      %get3A_602 = arith.constant 16 : index
      %get3A_603 = tpu.vector_load %arg8[%get3A_601, %get3A_602] {strides = array<i32>} : memref<64x128xf32, #tpu.memory_space<vmem>>, vector<1x16xf32>,
      %get3A_604 = vector.shape_cast %get3A_603 : vector<1x16xf32> to vector<16xf32>
      %get3A_605 = arith.constant 0 : i32
      %get3A_606 = arith.constant 0 : i32
      %get3A_607 = arith.index_cast %get3A_605 : i32 to index
      %get3A_608 = arith.index_cast %get3A_606 : i32 to index
      %get3A_609 = arith.index_cast %scan3A_524 : i32 to index
      %get3A_610 = arith.constant 16 : index
      %get3A_611 = tpu.vector_load %arg7[%get3A_607, %get3A_608, %get3A_609, %get3A_610] {strides = array<i32>} : memref<2x4x32x128xf32, #tpu.memory_space<vmem>>, vector<1x1x1x16xf32>,
      %get3A_612 = vector.shape_cast %get3A_611 : vector<1x1x1x16xf32> to vector<16xf32>
      %add3A_613 = arith.addf %get3A_612, %get3A_604 : vector<16xf32>
      %swap3A_614 = arith.constant 0 : i32
      %swap3A_615 = arith.constant 0 : i32
      %swap3A_616 = arith.index_cast %swap3A_614 : i32 to index
      %swap3A_617 = arith.index_cast %swap3A_615 : i32 to index
      %swap3A_618 = arith.index_cast %scan3A_524 : i32 to index
      %swap3A_619 = arith.constant 16 : index
      %swap3A_620 = tpu.vector_load %arg7[%swap3A_616, %swap3A_617, %swap3A_618, %swap3A_619] {strides = array<i32>} : memref<2x4x32x128xf32, #tpu.memory_space<vmem>>, vector<1x1x1x16xf32>,
      %swap3A_621 = vector.shape_cast %swap3A_620 : vector<1x1x1x16xf32> to vector<16xf32>
      %swap3A_622 = vector.shape_cast %add3A_613 : vector<16xf32> to vector<1x1x1x16xf32>
      tpu.vector_store %arg7[%swap3A_616, %swap3A_617, %swap3A_618, %swap3A_619], %swap3A_622 {strides = array<i32>} : memref<2x4x32x128xf32, #tpu.memory_space<vmem>>, vector<1x1x1x16xf32>,
      %get3A_623 = arith.constant 0 : i32
      %get3A_624 = arith.constant 1 : i32
      %get3A_625 = arith.index_cast %get3A_623 : i32 to index
      %get3A_626 = arith.index_cast %get3A_624 : i32 to index
      %get3A_627 = arith.index_cast %scan3A_524 : i32 to index
      %get3A_628 = arith.constant 16 : index
      %get3A_629 = tpu.vector_load %arg7[%get3A_625, %get3A_626, %get3A_627, %get3A_628] {strides = array<i32>} : memref<2x4x32x128xf32, #tpu.memory_space<vmem>>, vector<1x1x1x16xf32>,
      %get3A_630 = vector.shape_cast %get3A_629 : vector<1x1x1x16xf32> to vector<16xf32>
      %add3A_631 = arith.addf %get3A_630, %get3A_604 : vector<16xf32>
      %swap3A_632 = arith.constant 0 : i32
      %swap3A_633 = arith.constant 1 : i32
      %swap3A_634 = arith.index_cast %swap3A_632 : i32 to index
      %swap3A_635 = arith.index_cast %swap3A_633 : i32 to index
      %swap3A_636 = arith.index_cast %scan3A_524 : i32 to index
      %swap3A_637 = arith.constant 16 : index
      %swap3A_638 = tpu.vector_load %arg7[%swap3A_634, %swap3A_635, %swap3A_636, %swap3A_637] {strides = array<i32>} : memref<2x4x32x128xf32, #tpu.memory_space<vmem>>, vector<1x1x1x16xf32>,
      %swap3A_639 = vector.shape_cast %swap3A_638 : vector<1x1x1x16xf32> to vector<16xf32>
      %swap3A_640 = vector.shape_cast %add3A_631 : vector<16xf32> to vector<1x1x1x16xf32>
      tpu.vector_store %arg7[%swap3A_634, %swap3A_635, %swap3A_636, %swap3A_637], %swap3A_640 {strides = array<i32>} : memref<2x4x32x128xf32, #tpu.memory_space<vmem>>, vector<1x1x1x16xf32>,
      %get3A_641 = arith.constant 0 : i32
      %get3A_642 = arith.constant 2 : i32
      %get3A_643 = arith.index_cast %get3A_641 : i32 to index
      %get3A_644 = arith.index_cast %get3A_642 : i32 to index
      %get3A_645 = arith.index_cast %scan3A_524 : i32 to index
      %get3A_646 = arith.constant 16 : index
      %get3A_647 = tpu.vector_load %arg7[%get3A_643, %get3A_644, %get3A_645, %get3A_646] {strides = array<i32>} : memref<2x4x32x128xf32, #tpu.memory_space<vmem>>, vector<1x1x1x16xf32>,
      %get3A_648 = vector.shape_cast %get3A_647 : vector<1x1x1x16xf32> to vector<16xf32>
      %add3A_649 = arith.addf %get3A_648, %get3A_604 : vector<16xf32>
      %swap3A_650 = arith.constant 0 : i32
      %swap3A_651 = arith.constant 2 : i32
      %swap3A_652 = arith.index_cast %swap3A_650 : i32 to index
      %swap3A_653 = arith.index_cast %swap3A_651 : i32 to index
      %swap3A_654 = arith.index_cast %scan3A_524 : i32 to index
      %swap3A_655 = arith.constant 16 : index
      %swap3A_656 = tpu.vector_load %arg7[%swap3A_652, %swap3A_653, %swap3A_654, %swap3A_655] {strides = array<i32>} : memref<2x4x32x128xf32, #tpu.memory_space<vmem>>, vector<1x1x1x16xf32>,
      %swap3A_657 = vector.shape_cast %swap3A_656 : vector<1x1x1x16xf32> to vector<16xf32>
      %swap3A_658 = vector.shape_cast %add3A_649 : vector<16xf32> to vector<1x1x1x16xf32>
      tpu.vector_store %arg7[%swap3A_652, %swap3A_653, %swap3A_654, %swap3A_655], %swap3A_658 {strides = array<i32>} : memref<2x4x32x128xf32, #tpu.memory_space<vmem>>, vector<1x1x1x16xf32>,
      %get3A_659 = arith.constant 0 : i32
      %get3A_660 = arith.constant 3 : i32
      %get3A_661 = arith.index_cast %get3A_659 : i32 to index
      %get3A_662 = arith.index_cast %get3A_660 : i32 to index
      %get3A_663 = arith.index_cast %scan3A_524 : i32 to index
      %get3A_664 = arith.constant 16 : index
      %get3A_665 = tpu.vector_load %arg7[%get3A_661, %get3A_662, %get3A_663, %get3A_664] {strides = array<i32>} : memref<2x4x32x128xf32, #tpu.memory_space<vmem>>, vector<1x1x1x16xf32>,
      %get3A_666 = vector.shape_cast %get3A_665 : vector<1x1x1x16xf32> to vector<16xf32>
      %add3A_667 = arith.addf %get3A_666, %get3A_604 : vector<16xf32>
      %swap3A_668 = arith.constant 0 : i32
      %swap3A_669 = arith.constant 3 : i32
      %swap3A_670 = arith.index_cast %swap3A_668 : i32 to index
      %swap3A_671 = arith.index_cast %swap3A_669 : i32 to index
      %swap3A_672 = arith.index_cast %scan3A_524 : i32 to index
      %swap3A_673 = arith.constant 16 : index
      %swap3A_674 = tpu.vector_load %arg7[%swap3A_670, %swap3A_671, %swap3A_672, %swap3A_673] {strides = array<i32>} : memref<2x4x32x128xf32, #tpu.memory_space<vmem>>, vector<1x1x1x16xf32>,
      %swap3A_675 = vector.shape_cast %swap3A_674 : vector<1x1x1x16xf32> to vector<16xf32>
      %swap3A_676 = vector.shape_cast %add3A_667 : vector<16xf32> to vector<1x1x1x16xf32>
      tpu.vector_store %arg7[%swap3A_670, %swap3A_671, %swap3A_672, %swap3A_673], %swap3A_676 {strides = array<i32>} : memref<2x4x32x128xf32, #tpu.memory_space<vmem>>, vector<1x1x1x16xf32>,
      %get3A_677 = arith.index_cast %add3A_526 : i32 to index
      %get3A_678 = arith.constant 32 : index
      %get3A_679 = tpu.vector_load %arg8[%get3A_677, %get3A_678] {strides = array<i32>} : memref<64x128xf32, #tpu.memory_space<vmem>>, vector<1x16xf32>,
      %get3A_680 = vector.shape_cast %get3A_679 : vector<1x16xf32> to vector<16xf32>
      %get3A_681 = arith.constant 0 : i32
      %get3A_682 = arith.constant 0 : i32
      %get3A_683 = arith.index_cast %get3A_681 : i32 to index
      %get3A_684 = arith.index_cast %get3A_682 : i32 to index
      %get3A_685 = arith.index_cast %scan3A_524 : i32 to index
      %get3A_686 = arith.constant 32 : index
      %get3A_687 = tpu.vector_load %arg7[%get3A_683, %get3A_684, %get3A_685, %get3A_686] {strides = array<i32>} : memref<2x4x32x128xf32, #tpu.memory_space<vmem>>, vector<1x1x1x16xf32>,
      %get3A_688 = vector.shape_cast %get3A_687 : vector<1x1x1x16xf32> to vector<16xf32>
      %add3A_689 = arith.addf %get3A_688, %get3A_680 : vector<16xf32>
      %swap3A_690 = arith.constant 0 : i32
      %swap3A_691 = arith.constant 0 : i32
      %swap3A_692 = arith.index_cast %swap3A_690 : i32 to index
      %swap3A_693 = arith.index_cast %swap3A_691 : i32 to index
      %swap3A_694 = arith.index_cast %scan3A_524 : i32 to index
      %swap3A_695 = arith.constant 32 : index
      %swap3A_696 = tpu.vector_load %arg7[%swap3A_692, %swap3A_693, %swap3A_694, %swap3A_695] {strides = array<i32>} : memref<2x4x32x128xf32, #tpu.memory_space<vmem>>, vector<1x1x1x16xf32>,
      %swap3A_697 = vector.shape_cast %swap3A_696 : vector<1x1x1x16xf32> to vector<16xf32>
      %swap3A_698 = vector.shape_cast %add3A_689 : vector<16xf32> to vector<1x1x1x16xf32>
      tpu.vector_store %arg7[%swap3A_692, %swap3A_693, %swap3A_694, %swap3A_695], %swap3A_698 {strides = array<i32>} : memref<2x4x32x128xf32, #tpu.memory_space<vmem>>, vector<1x1x1x16xf32>,
      %get3A_699 = arith.constant 0 : i32
      %get3A_700 = arith.constant 1 : i32
      %get3A_701 = arith.index_cast %get3A_699 : i32 to index
      %get3A_702 = arith.index_cast %get3A_700 : i32 to index
      %get3A_703 = arith.index_cast %scan3A_524 : i32 to index
      %get3A_704 = arith.constant 32 : index
      %get3A_705 = tpu.vector_load %arg7[%get3A_701, %get3A_702, %get3A_703, %get3A_704] {strides = array<i32>} : memref<2x4x32x128xf32, #tpu.memory_space<vmem>>, vector<1x1x1x16xf32>,
      %get3A_706 = vector.shape_cast %get3A_705 : vector<1x1x1x16xf32> to vector<16xf32>
      %add3A_707 = arith.addf %get3A_706, %get3A_680 : vector<16xf32>
      %swap3A_708 = arith.constant 0 : i32
      %swap3A_709 = arith.constant 1 : i32
      %swap3A_710 = arith.index_cast %swap3A_708 : i32 to index
      %swap3A_711 = arith.index_cast %swap3A_709 : i32 to index
      %swap3A_712 = arith.index_cast %scan3A_524 : i32 to index
      %swap3A_713 = arith.constant 32 : index
      %swap3A_714 = tpu.vector_load %arg7[%swap3A_710, %swap3A_711, %swap3A_712, %swap3A_713] {strides = array<i32>} : memref<2x4x32x128xf32, #tpu.memory_space<vmem>>, vector<1x1x1x16xf32>,
      %swap3A_715 = vector.shape_cast %swap3A_714 : vector<1x1x1x16xf32> to vector<16xf32>
      %swap3A_716 = vector.shape_cast %add3A_707 : vector<16xf32> to vector<1x1x1x16xf32>
      tpu.vector_store %arg7[%swap3A_710, %swap3A_711, %swap3A_712, %swap3A_713], %swap3A_716 {strides = array<i32>} : memref<2x4x32x128xf32, #tpu.memory_space<vmem>>, vector<1x1x1x16xf32>,
      %get3A_717 = arith.constant 0 : i32
      %get3A_718 = arith.constant 2 : i32
      %get3A_719 = arith.index_cast %get3A_717 : i32 to index
      %get3A_720 = arith.index_cast %get3A_718 : i32 to index
      %get3A_721 = arith.index_cast %scan3A_524 : i32 to index
      %get3A_722 = arith.constant 32 : index
      %get3A_723 = tpu.vector_load %arg7[%get3A_719, %get3A_720, %get3A_721, %get3A_722] {strides = array<i32>} : memref<2x4x32x128xf32, #tpu.memory_space<vmem>>, vector<1x1x1x16xf32>,
      %get3A_724 = vector.shape_cast %get3A_723 : vector<1x1x1x16xf32> to vector<16xf32>
      %add3A_725 = arith.addf %get3A_724, %get3A_680 : vector<16xf32>
      %swap3A_726 = arith.constant 0 : i32
      %swap3A_727 = arith.constant 2 : i32
      %swap3A_728 = arith.index_cast %swap3A_726 : i32 to index
      %swap3A_729 = arith.index_cast %swap3A_727 : i32 to index
      %swap3A_730 = arith.index_cast %scan3A_524 : i32 to index
      %swap3A_731 = arith.constant 32 : index
      %swap3A_732 = tpu.vector_load %arg7[%swap3A_728, %swap3A_729, %swap3A_730, %swap3A_731] {strides = array<i32>} : memref<2x4x32x128xf32, #tpu.memory_space<vmem>>, vector<1x1x1x16xf32>,
      %swap3A_733 = vector.shape_cast %swap3A_732 : vector<1x1x1x16xf32> to vector<16xf32>
      %swap3A_734 = vector.shape_cast %add3A_725 : vector<16xf32> to vector<1x1x1x16xf32>
      tpu.vector_store %arg7[%swap3A_728, %swap3A_729, %swap3A_730, %swap3A_731], %swap3A_734 {strides = array<i32>} : memref<2x4x32x128xf32, #tpu.memory_space<vmem>>, vector<1x1x1x16xf32>,
      %get3A_735 = arith.constant 0 : i32
      %get3A_736 = arith.constant 3 : i32
      %get3A_737 = arith.index_cast %get3A_735 : i32 to index
      %get3A_738 = arith.index_cast %get3A_736 : i32 to index
      %get3A_739 = arith.index_cast %scan3A_524 : i32 to index
      %get3A_740 = arith.constant 32 : index
      %get3A_741 = tpu.vector_load %arg7[%get3A_737, %get3A_738, %get3A_739, %get3A_740] {strides = array<i32>} : memref<2x4x32x128xf32, #tpu.memory_space<vmem>>, vector<1x1x1x16xf32>,
      %get3A_742 = vector.shape_cast %get3A_741 : vector<1x1x1x16xf32> to vector<16xf32>
      %add3A_743 = arith.addf %get3A_742, %get3A_680 : vector<16xf32>
      %swap3A_744 = arith.constant 0 : i32
      %swap3A_745 = arith.constant 3 : i32
      %swap3A_746 = arith.index_cast %swap3A_744 : i32 to index
      %swap3A_747 = arith.index_cast %swap3A_745 : i32 to index
      %swap3A_748 = arith.index_cast %scan3A_524 : i32 to index
      %swap3A_749 = arith.constant 32 : index
      %swap3A_750 = tpu.vector_load %arg7[%swap3A_746, %swap3A_747, %swap3A_748, %swap3A_749] {strides = array<i32>} : memref<2x4x32x128xf32, #tpu.memory_space<vmem>>, vector<1x1x1x16xf32>,
      %swap3A_751 = vector.shape_cast %swap3A_750 : vector<1x1x1x16xf32> to vector<16xf32>
      %swap3A_752 = vector.shape_cast %add3A_743 : vector<16xf32> to vector<1x1x1x16xf32>
      tpu.vector_store %arg7[%swap3A_746, %swap3A_747, %swap3A_748, %swap3A_749], %swap3A_752 {strides = array<i32>} : memref<2x4x32x128xf32, #tpu.memory_space<vmem>>, vector<1x1x1x16xf32>,
      %get3A_753 = arith.index_cast %add3A_526 : i32 to index
      %get3A_754 = arith.constant 48 : index
      %get3A_755 = tpu.vector_load %arg8[%get3A_753, %get3A_754] {strides = array<i32>} : memref<64x128xf32, #tpu.memory_space<vmem>>, vector<1x16xf32>,
      %get3A_756 = vector.shape_cast %get3A_755 : vector<1x16xf32> to vector<16xf32>
      %get3A_757 = arith.constant 0 : i32
      %get3A_758 = arith.constant 0 : i32
      %get3A_759 = arith.index_cast %get3A_757 : i32 to index
      %get3A_760 = arith.index_cast %get3A_758 : i32 to index
      %get3A_761 = arith.index_cast %scan3A_524 : i32 to index
      %get3A_762 = arith.constant 48 : index
      %get3A_763 = tpu.vector_load %arg7[%get3A_759, %get3A_760, %get3A_761, %get3A_762] {strides = array<i32>} : memref<2x4x32x128xf32, #tpu.memory_space<vmem>>, vector<1x1x1x16xf32>,
      %get3A_764 = vector.shape_cast %get3A_763 : vector<1x1x1x16xf32> to vector<16xf32>
      %add3A_765 = arith.addf %get3A_764, %get3A_756 : vector<16xf32>
      %swap3A_766 = arith.constant 0 : i32
      %swap3A_767 = arith.constant 0 : i32
      %swap3A_768 = arith.index_cast %swap3A_766 : i32 to index
      %swap3A_769 = arith.index_cast %swap3A_767 : i32 to index
      %swap3A_770 = arith.index_cast %scan3A_524 : i32 to index
      %swap3A_771 = arith.constant 48 : index
      %swap3A_772 = tpu.vector_load %arg7[%swap3A_768, %swap3A_769, %swap3A_770, %swap3A_771] {strides = array<i32>} : memref<2x4x32x128xf32, #tpu.memory_space<vmem>>, vector<1x1x1x16xf32>,
      %swap3A_773 = vector.shape_cast %swap3A_772 : vector<1x1x1x16xf32> to vector<16xf32>
      %swap3A_774 = vector.shape_cast %add3A_765 : vector<16xf32> to vector<1x1x1x16xf32>
      tpu.vector_store %arg7[%swap3A_768, %swap3A_769, %swap3A_770, %swap3A_771], %swap3A_774 {strides = array<i32>} : memref<2x4x32x128xf32, #tpu.memory_space<vmem>>, vector<1x1x1x16xf32>,
      %get3A_775 = arith.constant 0 : i32
      %get3A_776 = arith.constant 1 : i32
      %get3A_777 = arith.index_cast %get3A_775 : i32 to index
      %get3A_778 = arith.index_cast %get3A_776 : i32 to index
      %get3A_779 = arith.index_cast %scan3A_524 : i32 to index
      %get3A_780 = arith.constant 48 : index
      %get3A_781 = tpu.vector_load %arg7[%get3A_777, %get3A_778, %get3A_779, %get3A_780] {strides = array<i32>} : memref<2x4x32x128xf32, #tpu.memory_space<vmem>>, vector<1x1x1x16xf32>,
      %get3A_782 = vector.shape_cast %get3A_781 : vector<1x1x1x16xf32> to vector<16xf32>
      %add3A_783 = arith.addf %get3A_782, %get3A_756 : vector<16xf32>
      %swap3A_784 = arith.constant 0 : i32
      %swap3A_785 = arith.constant 1 : i32
      %swap3A_786 = arith.index_cast %swap3A_784 : i32 to index
      %swap3A_787 = arith.index_cast %swap3A_785 : i32 to index
      %swap3A_788 = arith.index_cast %scan3A_524 : i32 to index
      %swap3A_789 = arith.constant 48 : index
      %swap3A_790 = tpu.vector_load %arg7[%swap3A_786, %swap3A_787, %swap3A_788, %swap3A_789] {strides = array<i32>} : memref<2x4x32x128xf32, #tpu.memory_space<vmem>>, vector<1x1x1x16xf32>,
      %swap3A_791 = vector.shape_cast %swap3A_790 : vector<1x1x1x16xf32> to vector<16xf32>
      %swap3A_792 = vector.shape_cast %add3A_783 : vector<16xf32> to vector<1x1x1x16xf32>
      tpu.vector_store %arg7[%swap3A_786, %swap3A_787, %swap3A_788, %swap3A_789], %swap3A_792 {strides = array<i32>} : memref<2x4x32x128xf32, #tpu.memory_space<vmem>>, vector<1x1x1x16xf32>,
      %get3A_793 = arith.constant 0 : i32
      %get3A_794 = arith.constant 2 : i32
      %get3A_795 = arith.index_cast %get3A_793 : i32 to index
      %get3A_796 = arith.index_cast %get3A_794 : i32 to index
      %get3A_797 = arith.index_cast %scan3A_524 : i32 to index
      %get3A_798 = arith.constant 48 : index
      %get3A_799 = tpu.vector_load %arg7[%get3A_795, %get3A_796, %get3A_797, %get3A_798] {strides = array<i32>} : memref<2x4x32x128xf32, #tpu.memory_space<vmem>>, vector<1x1x1x16xf32>,
      %get3A_800 = vector.shape_cast %get3A_799 : vector<1x1x1x16xf32> to vector<16xf32>
      %add3A_801 = arith.addf %get3A_800, %get3A_756 : vector<16xf32>
      %swap3A_802 = arith.constant 0 : i32
      %swap3A_803 = arith.constant 2 : i32
      %swap3A_804 = arith.index_cast %swap3A_802 : i32 to index
      %swap3A_805 = arith.index_cast %swap3A_803 : i32 to index
      %swap3A_806 = arith.index_cast %scan3A_524 : i32 to index
      %swap3A_807 = arith.constant 48 : index
      %swap3A_808 = tpu.vector_load %arg7[%swap3A_804, %swap3A_805, %swap3A_806, %swap3A_807] {strides = array<i32>} : memref<2x4x32x128xf32, #tpu.memory_space<vmem>>, vector<1x1x1x16xf32>,
      %swap3A_809 = vector.shape_cast %swap3A_808 : vector<1x1x1x16xf32> to vector<16xf32>
      %swap3A_810 = vector.shape_cast %add3A_801 : vector<16xf32> to vector<1x1x1x16xf32>
      tpu.vector_store %arg7[%swap3A_804, %swap3A_805, %swap3A_806, %swap3A_807], %swap3A_810 {strides = array<i32>} : memref<2x4x32x128xf32, #tpu.memory_space<vmem>>, vector<1x1x1x16xf32>,
      %get3A_811 = arith.constant 0 : i32
      %get3A_812 = arith.constant 3 : i32
      %get3A_813 = arith.index_cast %get3A_811 : i32 to index
      %get3A_814 = arith.index_cast %get3A_812 : i32 to index
      %get3A_815 = arith.index_cast %scan3A_524 : i32 to index
      %get3A_816 = arith.constant 48 : index
      %get3A_817 = tpu.vector_load %arg7[%get3A_813, %get3A_814, %get3A_815, %get3A_816] {strides = array<i32>} : memref<2x4x32x128xf32, #tpu.memory_space<vmem>>, vector<1x1x1x16xf32>,
      %get3A_818 = vector.shape_cast %get3A_817 : vector<1x1x1x16xf32> to vector<16xf32>
      %add3A_819 = arith.addf %get3A_818, %get3A_756 : vector<16xf32>
      %swap3A_820 = arith.constant 0 : i32
      %swap3A_821 = arith.constant 3 : i32
      %swap3A_822 = arith.index_cast %swap3A_820 : i32 to index
      %swap3A_823 = arith.index_cast %swap3A_821 : i32 to index
      %swap3A_824 = arith.index_cast %scan3A_524 : i32 to index
      %swap3A_825 = arith.constant 48 : index
      %swap3A_826 = tpu.vector_load %arg7[%swap3A_822, %swap3A_823, %swap3A_824, %swap3A_825] {strides = array<i32>} : memref<2x4x32x128xf32, #tpu.memory_space<vmem>>, vector<1x1x1x16xf32>,
      %swap3A_827 = vector.shape_cast %swap3A_826 : vector<1x1x1x16xf32> to vector<16xf32>
      %swap3A_828 = vector.shape_cast %add3A_819 : vector<16xf32> to vector<1x1x1x16xf32>
      tpu.vector_store %arg7[%swap3A_822, %swap3A_823, %swap3A_824, %swap3A_825], %swap3A_828 {strides = array<i32>} : memref<2x4x32x128xf32, #tpu.memory_space<vmem>>, vector<1x1x1x16xf32>,
      %get3A_829 = arith.index_cast %add3A_526 : i32 to index
      %get3A_830 = arith.constant 64 : index
      %get3A_831 = tpu.vector_load %arg8[%get3A_829, %get3A_830] {strides = array<i32>} : memref<64x128xf32, #tpu.memory_space<vmem>>, vector<1x16xf32>,
      %get3A_832 = vector.shape_cast %get3A_831 : vector<1x16xf32> to vector<16xf32>
      %get3A_833 = arith.constant 0 : i32
      %get3A_834 = arith.constant 0 : i32
      %get3A_835 = arith.index_cast %get3A_833 : i32 to index
      %get3A_836 = arith.index_cast %get3A_834 : i32 to index
      %get3A_837 = arith.index_cast %scan3A_524 : i32 to index
      %get3A_838 = arith.constant 64 : index
      %get3A_839 = tpu.vector_load %arg7[%get3A_835, %get3A_836, %get3A_837, %get3A_838] {strides = array<i32>} : memref<2x4x32x128xf32, #tpu.memory_space<vmem>>, vector<1x1x1x16xf32>,
      %get3A_840 = vector.shape_cast %get3A_839 : vector<1x1x1x16xf32> to vector<16xf32>
      %add3A_841 = arith.addf %get3A_840, %get3A_832 : vector<16xf32>
      %swap3A_842 = arith.constant 0 : i32
      %swap3A_843 = arith.constant 0 : i32
      %swap3A_844 = arith.index_cast %swap3A_842 : i32 to index
      %swap3A_845 = arith.index_cast %swap3A_843 : i32 to index
      %swap3A_846 = arith.index_cast %scan3A_524 : i32 to index
      %swap3A_847 = arith.constant 64 : index
      %swap3A_848 = tpu.vector_load %arg7[%swap3A_844, %swap3A_845, %swap3A_846, %swap3A_847] {strides = array<i32>} : memref<2x4x32x128xf32, #tpu.memory_space<vmem>>, vector<1x1x1x16xf32>,
      %swap3A_849 = vector.shape_cast %swap3A_848 : vector<1x1x1x16xf32> to vector<16xf32>
      %swap3A_850 = vector.shape_cast %add3A_841 : vector<16xf32> to vector<1x1x1x16xf32>
      tpu.vector_store %arg7[%swap3A_844, %swap3A_845, %swap3A_846, %swap3A_847], %swap3A_850 {strides = array<i32>} : memref<2x4x32x128xf32, #tpu.memory_space<vmem>>, vector<1x1x1x16xf32>,
      %get3A_851 = arith.constant 0 : i32
      %get3A_852 = arith.constant 1 : i32
      %get3A_853 = arith.index_cast %get3A_851 : i32 to index
      %get3A_854 = arith.index_cast %get3A_852 : i32 to index
      %get3A_855 = arith.index_cast %scan3A_524 : i32 to index
      %get3A_856 = arith.constant 64 : index
      %get3A_857 = tpu.vector_load %arg7[%get3A_853, %get3A_854, %get3A_855, %get3A_856] {strides = array<i32>} : memref<2x4x32x128xf32, #tpu.memory_space<vmem>>, vector<1x1x1x16xf32>,
      %get3A_858 = vector.shape_cast %get3A_857 : vector<1x1x1x16xf32> to vector<16xf32>
      %add3A_859 = arith.addf %get3A_858, %get3A_832 : vector<16xf32>
      %swap3A_860 = arith.constant 0 : i32
      %swap3A_861 = arith.constant 1 : i32
      %swap3A_862 = arith.index_cast %swap3A_860 : i32 to index
      %swap3A_863 = arith.index_cast %swap3A_861 : i32 to index
      %swap3A_864 = arith.index_cast %scan3A_524 : i32 to index
      %swap3A_865 = arith.constant 64 : index
      %swap3A_866 = tpu.vector_load %arg7[%swap3A_862, %swap3A_863, %swap3A_864, %swap3A_865] {strides = array<i32>} : memref<2x4x32x128xf32, #tpu.memory_space<vmem>>, vector<1x1x1x16xf32>,
      %swap3A_867 = vector.shape_cast %swap3A_866 : vector<1x1x1x16xf32> to vector<16xf32>
      %swap3A_868 = vector.shape_cast %add3A_859 : vector<16xf32> to vector<1x1x1x16xf32>
      tpu.vector_store %arg7[%swap3A_862, %swap3A_863, %swap3A_864, %swap3A_865], %swap3A_868 {strides = array<i32>} : memref<2x4x32x128xf32, #tpu.memory_space<vmem>>, vector<1x1x1x16xf32>,
      %get3A_869 = arith.constant 0 : i32
      %get3A_870 = arith.constant 2 : i32
      %get3A_871 = arith.index_cast %get3A_869 : i32 to index
      %get3A_872 = arith.index_cast %get3A_870 : i32 to index
      %get3A_873 = arith.index_cast %scan3A_524 : i32 to index
      %get3A_874 = arith.constant 64 : index
      %get3A_875 = tpu.vector_load %arg7[%get3A_871, %get3A_872, %get3A_873, %get3A_874] {strides = array<i32>} : memref<2x4x32x128xf32, #tpu.memory_space<vmem>>, vector<1x1x1x16xf32>,
      %get3A_876 = vector.shape_cast %get3A_875 : vector<1x1x1x16xf32> to vector<16xf32>
      %add3A_877 = arith.addf %get3A_876, %get3A_832 : vector<16xf32>
      %swap3A_878 = arith.constant 0 : i32
      %swap3A_879 = arith.constant 2 : i32
      %swap3A_880 = arith.index_cast %swap3A_878 : i32 to index
      %swap3A_881 = arith.index_cast %swap3A_879 : i32 to index
      %swap3A_882 = arith.index_cast %scan3A_524 : i32 to index
      %swap3A_883 = arith.constant 64 : index
      %swap3A_884 = tpu.vector_load %arg7[%swap3A_880, %swap3A_881, %swap3A_882, %swap3A_883] {strides = array<i32>} : memref<2x4x32x128xf32, #tpu.memory_space<vmem>>, vector<1x1x1x16xf32>,
      %swap3A_885 = vector.shape_cast %swap3A_884 : vector<1x1x1x16xf32> to vector<16xf32>
      %swap3A_886 = vector.shape_cast %add3A_877 : vector<16xf32> to vector<1x1x1x16xf32>
      tpu.vector_store %arg7[%swap3A_880, %swap3A_881, %swap3A_882, %swap3A_883], %swap3A_886 {strides = array<i32>} : memref<2x4x32x128xf32, #tpu.memory_space<vmem>>, vector<1x1x1x16xf32>,
      %get3A_887 = arith.constant 0 : i32
      %get3A_888 = arith.constant 3 : i32
      %get3A_889 = arith.index_cast %get3A_887 : i32 to index
      %get3A_890 = arith.index_cast %get3A_888 : i32 to index
      %get3A_891 = arith.index_cast %scan3A_524 : i32 to index
      %get3A_892 = arith.constant 64 : index
      %get3A_893 = tpu.vector_load %arg7[%get3A_889, %get3A_890, %get3A_891, %get3A_892] {strides = array<i32>} : memref<2x4x32x128xf32, #tpu.memory_space<vmem>>, vector<1x1x1x16xf32>,
      %get3A_894 = vector.shape_cast %get3A_893 : vector<1x1x1x16xf32> to vector<16xf32>
      %add3A_895 = arith.addf %get3A_894, %get3A_832 : vector<16xf32>
      %swap3A_896 = arith.constant 0 : i32
      %swap3A_897 = arith.constant 3 : i32
      %swap3A_898 = arith.index_cast %swap3A_896 : i32 to index
      %swap3A_899 = arith.index_cast %swap3A_897 : i32 to index
      %swap3A_900 = arith.index_cast %scan3A_524 : i32 to index
      %swap3A_901 = arith.constant 64 : index
      %swap3A_902 = tpu.vector_load %arg7[%swap3A_898, %swap3A_899, %swap3A_900, %swap3A_901] {strides = array<i32>} : memref<2x4x32x128xf32, #tpu.memory_space<vmem>>, vector<1x1x1x16xf32>,
      %swap3A_903 = vector.shape_cast %swap3A_902 : vector<1x1x1x16xf32> to vector<16xf32>
      %swap3A_904 = vector.shape_cast %add3A_895 : vector<16xf32> to vector<1x1x1x16xf32>
      tpu.vector_store %arg7[%swap3A_898, %swap3A_899, %swap3A_900, %swap3A_901], %swap3A_904 {strides = array<i32>} : memref<2x4x32x128xf32, #tpu.memory_space<vmem>>, vector<1x1x1x16xf32>,
      %get3A_905 = arith.index_cast %add3A_526 : i32 to index
      %get3A_906 = arith.constant 80 : index
      %get3A_907 = tpu.vector_load %arg8[%get3A_905, %get3A_906] {strides = array<i32>} : memref<64x128xf32, #tpu.memory_space<vmem>>, vector<1x16xf32>,
      %get3A_908 = vector.shape_cast %get3A_907 : vector<1x16xf32> to vector<16xf32>
      %get3A_909 = arith.constant 0 : i32
      %get3A_910 = arith.constant 0 : i32
      %get3A_911 = arith.index_cast %get3A_909 : i32 to index
      %get3A_912 = arith.index_cast %get3A_910 : i32 to index
      %get3A_913 = arith.index_cast %scan3A_524 : i32 to index
      %get3A_914 = arith.constant 80 : index
      %get3A_915 = tpu.vector_load %arg7[%get3A_911, %get3A_912, %get3A_913, %get3A_914] {strides = array<i32>} : memref<2x4x32x128xf32, #tpu.memory_space<vmem>>, vector<1x1x1x16xf32>,
      %get3A_916 = vector.shape_cast %get3A_915 : vector<1x1x1x16xf32> to vector<16xf32>
      %add3A_917 = arith.addf %get3A_916, %get3A_908 : vector<16xf32>
      %swap3A_918 = arith.constant 0 : i32
      %swap3A_919 = arith.constant 0 : i32
      %swap3A_920 = arith.index_cast %swap3A_918 : i32 to index
      %swap3A_921 = arith.index_cast %swap3A_919 : i32 to index
      %swap3A_922 = arith.index_cast %scan3A_524 : i32 to index
      %swap3A_923 = arith.constant 80 : index
      %swap3A_924 = tpu.vector_load %arg7[%swap3A_920, %swap3A_921, %swap3A_922, %swap3A_923] {strides = array<i32>} : memref<2x4x32x128xf32, #tpu.memory_space<vmem>>, vector<1x1x1x16xf32>,
      %swap3A_925 = vector.shape_cast %swap3A_924 : vector<1x1x1x16xf32> to vector<16xf32>
      %swap3A_926 = vector.shape_cast %add3A_917 : vector<16xf32> to vector<1x1x1x16xf32>
      tpu.vector_store %arg7[%swap3A_920, %swap3A_921, %swap3A_922, %swap3A_923], %swap3A_926 {strides = array<i32>} : memref<2x4x32x128xf32, #tpu.memory_space<vmem>>, vector<1x1x1x16xf32>,
      %get3A_927 = arith.constant 0 : i32
      %get3A_928 = arith.constant 1 : i32
      %get3A_929 = arith.index_cast %get3A_927 : i32 to index
      %get3A_930 = arith.index_cast %get3A_928 : i32 to index
      %get3A_931 = arith.index_cast %scan3A_524 : i32 to index
      %get3A_932 = arith.constant 80 : index
      %get3A_933 = tpu.vector_load %arg7[%get3A_929, %get3A_930, %get3A_931, %get3A_932] {strides = array<i32>} : memref<2x4x32x128xf32, #tpu.memory_space<vmem>>, vector<1x1x1x16xf32>,
      %get3A_934 = vector.shape_cast %get3A_933 : vector<1x1x1x16xf32> to vector<16xf32>
      %add3A_935 = arith.addf %get3A_934, %get3A_908 : vector<16xf32>
      %swap3A_936 = arith.constant 0 : i32
      %swap3A_937 = arith.constant 1 : i32
      %swap3A_938 = arith.index_cast %swap3A_936 : i32 to index
      %swap3A_939 = arith.index_cast %swap3A_937 : i32 to index
      %swap3A_940 = arith.index_cast %scan3A_524 : i32 to index
      %swap3A_941 = arith.constant 80 : index
      %swap3A_942 = tpu.vector_load %arg7[%swap3A_938, %swap3A_939, %swap3A_940, %swap3A_941] {strides = array<i32>} : memref<2x4x32x128xf32, #tpu.memory_space<vmem>>, vector<1x1x1x16xf32>,
      %swap3A_943 = vector.shape_cast %swap3A_942 : vector<1x1x1x16xf32> to vector<16xf32>
      %swap3A_944 = vector.shape_cast %add3A_935 : vector<16xf32> to vector<1x1x1x16xf32>
      tpu.vector_store %arg7[%swap3A_938, %swap3A_939, %swap3A_940, %swap3A_941], %swap3A_944 {strides = array<i32>} : memref<2x4x32x128xf32, #tpu.memory_space<vmem>>, vector<1x1x1x16xf32>,
      %get3A_945 = arith.constant 0 : i32
      %get3A_946 = arith.constant 2 : i32
      %get3A_947 = arith.index_cast %get3A_945 : i32 to index
      %get3A_948 = arith.index_cast %get3A_946 : i32 to index
      %get3A_949 = arith.index_cast %scan3A_524 : i32 to index
      %get3A_950 = arith.constant 80 : index
      %get3A_951 = tpu.vector_load %arg7[%get3A_947, %get3A_948, %get3A_949, %get3A_950] {strides = array<i32>} : memref<2x4x32x128xf32, #tpu.memory_space<vmem>>, vector<1x1x1x16xf32>,
      %get3A_952 = vector.shape_cast %get3A_951 : vector<1x1x1x16xf32> to vector<16xf32>
      %add3A_953 = arith.addf %get3A_952, %get3A_908 : vector<16xf32>
      %swap3A_954 = arith.constant 0 : i32
      %swap3A_955 = arith.constant 2 : i32
      %swap3A_956 = arith.index_cast %swap3A_954 : i32 to index
      %swap3A_957 = arith.index_cast %swap3A_955 : i32 to index
      %swap3A_958 = arith.index_cast %scan3A_524 : i32 to index
      %swap3A_959 = arith.constant 80 : index
      %swap3A_960 = tpu.vector_load %arg7[%swap3A_956, %swap3A_957, %swap3A_958, %swap3A_959] {strides = array<i32>} : memref<2x4x32x128xf32, #tpu.memory_space<vmem>>, vector<1x1x1x16xf32>,
      %swap3A_961 = vector.shape_cast %swap3A_960 : vector<1x1x1x16xf32> to vector<16xf32>
      %swap3A_962 = vector.shape_cast %add3A_953 : vector<16xf32> to vector<1x1x1x16xf32>
      tpu.vector_store %arg7[%swap3A_956, %swap3A_957, %swap3A_958, %swap3A_959], %swap3A_962 {strides = array<i32>} : memref<2x4x32x128xf32, #tpu.memory_space<vmem>>, vector<1x1x1x16xf32>,
      %get3A_963 = arith.constant 0 : i32
      %get3A_964 = arith.constant 3 : i32
      %get3A_965 = arith.index_cast %get3A_963 : i32 to index
      %get3A_966 = arith.index_cast %get3A_964 : i32 to index
      %get3A_967 = arith.index_cast %scan3A_524 : i32 to index
      %get3A_968 = arith.constant 80 : index
      %get3A_969 = tpu.vector_load %arg7[%get3A_965, %get3A_966, %get3A_967, %get3A_968] {strides = array<i32>} : memref<2x4x32x128xf32, #tpu.memory_space<vmem>>, vector<1x1x1x16xf32>,
      %get3A_970 = vector.shape_cast %get3A_969 : vector<1x1x1x16xf32> to vector<16xf32>
      %add3A_971 = arith.addf %get3A_970, %get3A_908 : vector<16xf32>
      %swap3A_972 = arith.constant 0 : i32
      %swap3A_973 = arith.constant 3 : i32
      %swap3A_974 = arith.index_cast %swap3A_972 : i32 to index
      %swap3A_975 = arith.index_cast %swap3A_973 : i32 to index
      %swap3A_976 = arith.index_cast %scan3A_524 : i32 to index
      %swap3A_977 = arith.constant 80 : index
      %swap3A_978 = tpu.vector_load %arg7[%swap3A_974, %swap3A_975, %swap3A_976, %swap3A_977] {strides = array<i32>} : memref<2x4x32x128xf32, #tpu.memory_space<vmem>>, vector<1x1x1x16xf32>,
      %swap3A_979 = vector.shape_cast %swap3A_978 : vector<1x1x1x16xf32> to vector<16xf32>
      %swap3A_980 = vector.shape_cast %add3A_971 : vector<16xf32> to vector<1x1x1x16xf32>
      tpu.vector_store %arg7[%swap3A_974, %swap3A_975, %swap3A_976, %swap3A_977], %swap3A_980 {strides = array<i32>} : memref<2x4x32x128xf32, #tpu.memory_space<vmem>>, vector<1x1x1x16xf32>,
      %get3A_981 = arith.index_cast %add3A_526 : i32 to index
      %get3A_982 = arith.constant 96 : index
      %get3A_983 = tpu.vector_load %arg8[%get3A_981, %get3A_982] {strides = array<i32>} : memref<64x128xf32, #tpu.memory_space<vmem>>, vector<1x16xf32>,
      %get3A_984 = vector.shape_cast %get3A_983 : vector<1x16xf32> to vector<16xf32>
      %get3A_985 = arith.constant 0 : i32
      %get3A_986 = arith.constant 0 : i32
      %get3A_987 = arith.index_cast %get3A_985 : i32 to index
      %get3A_988 = arith.index_cast %get3A_986 : i32 to index
      %get3A_989 = arith.index_cast %scan3A_524 : i32 to index
      %get3A_990 = arith.constant 96 : index
      %get3A_991 = tpu.vector_load %arg7[%get3A_987, %get3A_988, %get3A_989, %get3A_990] {strides = array<i32>} : memref<2x4x32x128xf32, #tpu.memory_space<vmem>>, vector<1x1x1x16xf32>,
      %get3A_992 = vector.shape_cast %get3A_991 : vector<1x1x1x16xf32> to vector<16xf32>
      %add3A_993 = arith.addf %get3A_992, %get3A_984 : vector<16xf32>
      %swap3A_994 = arith.constant 0 : i32
      %swap3A_995 = arith.constant 0 : i32
      %swap3A_996 = arith.index_cast %swap3A_994 : i32 to index
      %swap3A_997 = arith.index_cast %swap3A_995 : i32 to index
      %swap3A_998 = arith.index_cast %scan3A_524 : i32 to index
      %swap3A_999 = arith.constant 96 : index
      %swap3A_1000 = tpu.vector_load %arg7[%swap3A_996, %swap3A_997, %swap3A_998, %swap3A_999] {strides = array<i32>} : memref<2x4x32x128xf32, #tpu.memory_space<vmem>>, vector<1x1x1x16xf32>,
      %swap3A_1001 = vector.shape_cast %swap3A_1000 : vector<1x1x1x16xf32> to vector<16xf32>
      %swap3A_1002 = vector.shape_cast %add3A_993 : vector<16xf32> to vector<1x1x1x16xf32>
      tpu.vector_store %arg7[%swap3A_996, %swap3A_997, %swap3A_998, %swap3A_999], %swap3A_1002 {strides = array<i32>} : memref<2x4x32x128xf32, #tpu.memory_space<vmem>>, vector<1x1x1x16xf32>,
      %get3A_1003 = arith.constant 0 : i32
      %get3A_1004 = arith.constant 1 : i32
      %get3A_1005 = arith.index_cast %get3A_1003 : i32 to index
      %get3A_1006 = arith.index_cast %get3A_1004 : i32 to index
      %get3A_1007 = arith.index_cast %scan3A_524 : i32 to index
      %get3A_1008 = arith.constant 96 : index
      %get3A_1009 = tpu.vector_load %arg7[%get3A_1005, %get3A_1006, %get3A_1007, %get3A_1008] {strides = array<i32>} : memref<2x4x32x128xf32, #tpu.memory_space<vmem>>, vector<1x1x1x16xf32>,
      %get3A_1010 = vector.shape_cast %get3A_1009 : vector<1x1x1x16xf32> to vector<16xf32>
      %add3A_1011 = arith.addf %get3A_1010, %get3A_984 : vector<16xf32>
      %swap3A_1012 = arith.constant 0 : i32
      %swap3A_1013 = arith.constant 1 : i32
      %swap3A_1014 = arith.index_cast %swap3A_1012 : i32 to index
      %swap3A_1015 = arith.index_cast %swap3A_1013 : i32 to index
      %swap3A_1016 = arith.index_cast %scan3A_524 : i32 to index
      %swap3A_1017 = arith.constant 96 : index
      %swap3A_1018 = tpu.vector_load %arg7[%swap3A_1014, %swap3A_1015, %swap3A_1016, %swap3A_1017] {strides = array<i32>} : memref<2x4x32x128xf32, #tpu.memory_space<vmem>>, vector<1x1x1x16xf32>,
      %swap3A_1019 = vector.shape_cast %swap3A_1018 : vector<1x1x1x16xf32> to vector<16xf32>
      %swap3A_1020 = vector.shape_cast %add3A_1011 : vector<16xf32> to vector<1x1x1x16xf32>
      tpu.vector_store %arg7[%swap3A_1014, %swap3A_1015, %swap3A_1016, %swap3A_1017], %swap3A_1020 {strides = array<i32>} : memref<2x4x32x128xf32, #tpu.memory_space<vmem>>, vector<1x1x1x16xf32>,
      %get3A_1021 = arith.constant 0 : i32
      %get3A_1022 = arith.constant 2 : i32
      %get3A_1023 = arith.index_cast %get3A_1021 : i32 to index
      %get3A_1024 = arith.index_cast %get3A_1022 : i32 to index
      %get3A_1025 = arith.index_cast %scan3A_524 : i32 to index
      %get3A_1026 = arith.constant 96 : index
      %get3A_1027 = tpu.vector_load %arg7[%get3A_1023, %get3A_1024, %get3A_1025, %get3A_1026] {strides = array<i32>} : memref<2x4x32x128xf32, #tpu.memory_space<vmem>>, vector<1x1x1x16xf32>,
      %get3A_1028 = vector.shape_cast %get3A_1027 : vector<1x1x1x16xf32> to vector<16xf32>
      %add3A_1029 = arith.addf %get3A_1028, %get3A_984 : vector<16xf32>
      %swap3A_1030 = arith.constant 0 : i32
      %swap3A_1031 = arith.constant 2 : i32
      %swap3A_1032 = arith.index_cast %swap3A_1030 : i32 to index
      %swap3A_1033 = arith.index_cast %swap3A_1031 : i32 to index
      %swap3A_1034 = arith.index_cast %scan3A_524 : i32 to index
      %swap3A_1035 = arith.constant 96 : index
      %swap3A_1036 = tpu.vector_load %arg7[%swap3A_1032, %swap3A_1033, %swap3A_1034, %swap3A_1035] {strides = array<i32>} : memref<2x4x32x128xf32, #tpu.memory_space<vmem>>, vector<1x1x1x16xf32>,
      %swap3A_1037 = vector.shape_cast %swap3A_1036 : vector<1x1x1x16xf32> to vector<16xf32>
      %swap3A_1038 = vector.shape_cast %add3A_1029 : vector<16xf32> to vector<1x1x1x16xf32>
      tpu.vector_store %arg7[%swap3A_1032, %swap3A_1033, %swap3A_1034, %swap3A_1035], %swap3A_1038 {strides = array<i32>} : memref<2x4x32x128xf32, #tpu.memory_space<vmem>>, vector<1x1x1x16xf32>,
      %get3A_1039 = arith.constant 0 : i32
      %get3A_1040 = arith.constant 3 : i32
      %get3A_1041 = arith.index_cast %get3A_1039 : i32 to index
      %get3A_1042 = arith.index_cast %get3A_1040 : i32 to index
      %get3A_1043 = arith.index_cast %scan3A_524 : i32 to index
      %get3A_1044 = arith.constant 96 : index
      %get3A_1045 = tpu.vector_load %arg7[%get3A_1041, %get3A_1042, %get3A_1043, %get3A_1044] {strides = array<i32>} : memref<2x4x32x128xf32, #tpu.memory_space<vmem>>, vector<1x1x1x16xf32>,
      %get3A_1046 = vector.shape_cast %get3A_1045 : vector<1x1x1x16xf32> to vector<16xf32>
      %add3A_1047 = arith.addf %get3A_1046, %get3A_984 : vector<16xf32>
      %swap3A_1048 = arith.constant 0 : i32
      %swap3A_1049 = arith.constant 3 : i32
      %swap3A_1050 = arith.index_cast %swap3A_1048 : i32 to index
      %swap3A_1051 = arith.index_cast %swap3A_1049 : i32 to index
      %swap3A_1052 = arith.index_cast %scan3A_524 : i32 to index
      %swap3A_1053 = arith.constant 96 : index
      %swap3A_1054 = tpu.vector_load %arg7[%swap3A_1050, %swap3A_1051, %swap3A_1052, %swap3A_1053] {strides = array<i32>} : memref<2x4x32x128xf32, #tpu.memory_space<vmem>>, vector<1x1x1x16xf32>,
      %swap3A_1055 = vector.shape_cast %swap3A_1054 : vector<1x1x1x16xf32> to vector<16xf32>
      %swap3A_1056 = vector.shape_cast %add3A_1047 : vector<16xf32> to vector<1x1x1x16xf32>
      tpu.vector_store %arg7[%swap3A_1050, %swap3A_1051, %swap3A_1052, %swap3A_1053], %swap3A_1056 {strides = array<i32>} : memref<2x4x32x128xf32, #tpu.memory_space<vmem>>, vector<1x1x1x16xf32>,
      %get3A_1057 = arith.index_cast %add3A_526 : i32 to index
      %get3A_1058 = arith.constant 112 : index
      %get3A_1059 = tpu.vector_load %arg8[%get3A_1057, %get3A_1058] {strides = array<i32>} : memref<64x128xf32, #tpu.memory_space<vmem>>, vector<1x16xf32>,
      %get3A_1060 = vector.shape_cast %get3A_1059 : vector<1x16xf32> to vector<16xf32>
      %get3A_1061 = arith.constant 0 : i32
      %get3A_1062 = arith.constant 0 : i32
      %get3A_1063 = arith.index_cast %get3A_1061 : i32 to index
      %get3A_1064 = arith.index_cast %get3A_1062 : i32 to index
      %get3A_1065 = arith.index_cast %scan3A_524 : i32 to index
      %get3A_1066 = arith.constant 112 : index
      %get3A_1067 = tpu.vector_load %arg7[%get3A_1063, %get3A_1064, %get3A_1065, %get3A_1066] {strides = array<i32>} : memref<2x4x32x128xf32, #tpu.memory_space<vmem>>, vector<1x1x1x16xf32>,
      %get3A_1068 = vector.shape_cast %get3A_1067 : vector<1x1x1x16xf32> to vector<16xf32>
      %add3A_1069 = arith.addf %get3A_1068, %get3A_1060 : vector<16xf32>
      %swap3A_1070 = arith.constant 0 : i32
      %swap3A_1071 = arith.constant 0 : i32
      %swap3A_1072 = arith.index_cast %swap3A_1070 : i32 to index
      %swap3A_1073 = arith.index_cast %swap3A_1071 : i32 to index
      %swap3A_1074 = arith.index_cast %scan3A_524 : i32 to index
      %swap3A_1075 = arith.constant 112 : index
      %swap3A_1076 = tpu.vector_load %arg7[%swap3A_1072, %swap3A_1073, %swap3A_1074, %swap3A_1075] {strides = array<i32>} : memref<2x4x32x128xf32, #tpu.memory_space<vmem>>, vector<1x1x1x16xf32>,
      %swap3A_1077 = vector.shape_cast %swap3A_1076 : vector<1x1x1x16xf32> to vector<16xf32>
      %swap3A_1078 = vector.shape_cast %add3A_1069 : vector<16xf32> to vector<1x1x1x16xf32>
      tpu.vector_store %arg7[%swap3A_1072, %swap3A_1073, %swap3A_1074, %swap3A_1075], %swap3A_1078 {strides = array<i32>} : memref<2x4x32x128xf32, #tpu.memory_space<vmem>>, vector<1x1x1x16xf32>,
      %get3A_1079 = arith.constant 0 : i32
      %get3A_1080 = arith.constant 1 : i32
      %get3A_1081 = arith.index_cast %get3A_1079 : i32 to index
      %get3A_1082 = arith.index_cast %get3A_1080 : i32 to index
      %get3A_1083 = arith.index_cast %scan3A_524 : i32 to index
      %get3A_1084 = arith.constant 112 : index
      %get3A_1085 = tpu.vector_load %arg7[%get3A_1081, %get3A_1082, %get3A_1083, %get3A_1084] {strides = array<i32>} : memref<2x4x32x128xf32, #tpu.memory_space<vmem>>, vector<1x1x1x16xf32>,
      %get3A_1086 = vector.shape_cast %get3A_1085 : vector<1x1x1x16xf32> to vector<16xf32>
      %add3A_1087 = arith.addf %get3A_1086, %get3A_1060 : vector<16xf32>
      %swap3A_1088 = arith.constant 0 : i32
      %swap3A_1089 = arith.constant 1 : i32
      %swap3A_1090 = arith.index_cast %swap3A_1088 : i32 to index
      %swap3A_1091 = arith.index_cast %swap3A_1089 : i32 to index
      %swap3A_1092 = arith.index_cast %scan3A_524 : i32 to index
      %swap3A_1093 = arith.constant 112 : index
      %swap3A_1094 = tpu.vector_load %arg7[%swap3A_1090, %swap3A_1091, %swap3A_1092, %swap3A_1093] {strides = array<i32>} : memref<2x4x32x128xf32, #tpu.memory_space<vmem>>, vector<1x1x1x16xf32>,
      %swap3A_1095 = vector.shape_cast %swap3A_1094 : vector<1x1x1x16xf32> to vector<16xf32>
      %swap3A_1096 = vector.shape_cast %add3A_1087 : vector<16xf32> to vector<1x1x1x16xf32>
      tpu.vector_store %arg7[%swap3A_1090, %swap3A_1091, %swap3A_1092, %swap3A_1093], %swap3A_1096 {strides = array<i32>} : memref<2x4x32x128xf32, #tpu.memory_space<vmem>>, vector<1x1x1x16xf32>,
      %get3A_1097 = arith.constant 0 : i32
      %get3A_1098 = arith.constant 2 : i32
      %get3A_1099 = arith.index_cast %get3A_1097 : i32 to index
      %get3A_1100 = arith.index_cast %get3A_1098 : i32 to index
      %get3A_1101 = arith.index_cast %scan3A_524 : i32 to index
      %get3A_1102 = arith.constant 112 : index
      %get3A_1103 = tpu.vector_load %arg7[%get3A_1099, %get3A_1100, %get3A_1101, %get3A_1102] {strides = array<i32>} : memref<2x4x32x128xf32, #tpu.memory_space<vmem>>, vector<1x1x1x16xf32>,
      %get3A_1104 = vector.shape_cast %get3A_1103 : vector<1x1x1x16xf32> to vector<16xf32>
      %add3A_1105 = arith.addf %get3A_1104, %get3A_1060 : vector<16xf32>
      %swap3A_1106 = arith.constant 0 : i32
      %swap3A_1107 = arith.constant 2 : i32
      %swap3A_1108 = arith.index_cast %swap3A_1106 : i32 to index
      %swap3A_1109 = arith.index_cast %swap3A_1107 : i32 to index
      %swap3A_1110 = arith.index_cast %scan3A_524 : i32 to index
      %swap3A_1111 = arith.constant 112 : index
      %swap3A_1112 = tpu.vector_load %arg7[%swap3A_1108, %swap3A_1109, %swap3A_1110, %swap3A_1111] {strides = array<i32>} : memref<2x4x32x128xf32, #tpu.memory_space<vmem>>, vector<1x1x1x16xf32>,
      %swap3A_1113 = vector.shape_cast %swap3A_1112 : vector<1x1x1x16xf32> to vector<16xf32>
      %swap3A_1114 = vector.shape_cast %add3A_1105 : vector<16xf32> to vector<1x1x1x16xf32>
      tpu.vector_store %arg7[%swap3A_1108, %swap3A_1109, %swap3A_1110, %swap3A_1111], %swap3A_1114 {strides = array<i32>} : memref<2x4x32x128xf32, #tpu.memory_space<vmem>>, vector<1x1x1x16xf32>,
      %get3A_1115 = arith.constant 0 : i32
      %get3A_1116 = arith.constant 3 : i32
      %get3A_1117 = arith.index_cast %get3A_1115 : i32 to index
      %get3A_1118 = arith.index_cast %get3A_1116 : i32 to index
      %get3A_1119 = arith.index_cast %scan3A_524 : i32 to index
      %get3A_1120 = arith.constant 112 : index
      %get3A_1121 = tpu.vector_load %arg7[%get3A_1117, %get3A_1118, %get3A_1119, %get3A_1120] {strides = array<i32>} : memref<2x4x32x128xf32, #tpu.memory_space<vmem>>, vector<1x1x1x16xf32>,
      %get3A_1122 = vector.shape_cast %get3A_1121 : vector<1x1x1x16xf32> to vector<16xf32>
      %add3A_1123 = arith.addf %get3A_1122, %get3A_1060 : vector<16xf32>
      %swap3A_1124 = arith.constant 0 : i32
      %swap3A_1125 = arith.constant 3 : i32
      %swap3A_1126 = arith.index_cast %swap3A_1124 : i32 to index
      %swap3A_1127 = arith.index_cast %swap3A_1125 : i32 to index
      %swap3A_1128 = arith.index_cast %scan3A_524 : i32 to index
      %swap3A_1129 = arith.constant 112 : index
      %swap3A_1130 = tpu.vector_load %arg7[%swap3A_1126, %swap3A_1127, %swap3A_1128, %swap3A_1129] {strides = array<i32>} : memref<2x4x32x128xf32, #tpu.memory_space<vmem>>, vector<1x1x1x16xf32>,
      %swap3A_1131 = vector.shape_cast %swap3A_1130 : vector<1x1x1x16xf32> to vector<16xf32>
      %swap3A_1132 = vector.shape_cast %add3A_1123 : vector<16xf32> to vector<1x1x1x16xf32>
      tpu.vector_store %arg7[%swap3A_1126, %swap3A_1127, %swap3A_1128, %swap3A_1129], %swap3A_1132 {strides = array<i32>} : memref<2x4x32x128xf32, #tpu.memory_space<vmem>>, vector<1x1x1x16xf32>,
    }
    %scan3A_217 = arith.constant 32 : i32
    %add3A_218 = arith.constant 0 : i32
    %add3A_219 = arith.addi %add3A_218, %mul3A_2 : i32
    %add3A_220 = arith.constant 0 : i32
    %add3A_221 = arith.addi %add3A_219, %add3A_220 : i32
    %dma_start3A_222 = arith.constant 0 : i32
    %dma_start3A_223 = arith.constant 0 : i32
    %dma_start3A_224 = arith.constant 0 : i32
    %dma_start3A_225 = arith.constant 0 : i32
    %dma_start3A_226 = tpu.memref_slice %arg7[%dma_start3A_222, %dma_start3A_223, %dma_start3A_224, %dma_start3A_225] : memref<2x4x32x128xf32, #tpu.memory_space<vmem>> -> memref<1x1x32x128xf32, #tpu.memory_space<vmem>>
    %dma_start3A_227 = tpu.memref_squeeze %dma_start3A_226 : memref<1x1x32x128xf32, #tpu.memory_space<vmem>> -> memref<32x128xf32, #tpu.memory_space<vmem>>
    %dma_start3A_228 = arith.constant 0 : i32
    %dma_start3A_229 = tpu.memref_slice %arg5[%add3A_221, %dma_start3A_228] : memref<8192x128xf32, #tpu.memory_space<hbm>> -> memref<32x128xf32, #tpu.memory_space<hbm>>
    %dma_start3A_230 = arith.constant 0 : i32
    %dma_start3A_231 = tpu.memref_slice %arg5[%add3A_221, %dma_start3A_230] : memref<8192x128xf32, #tpu.memory_space<hbm>> -> memref<32x128xf32, #tpu.memory_space<hbm>>
    %dma_start3A_232 = arith.constant 0 : i32
    %dma_start3A_233 = arith.constant 0 : i32
    %dma_start3A_234 = tpu.memref_slice %arg7[%dma_start3A_222, %dma_start3A_223, %dma_start3A_232, %dma_start3A_233] : memref<2x4x32x128xf32, #tpu.memory_space<vmem>> -> memref<1x1x32x128xf32, #tpu.memory_space<vmem>>
    %dma_start3A_235 = tpu.memref_squeeze %dma_start3A_234 : memref<1x1x32x128xf32, #tpu.memory_space<vmem>> -> memref<32x128xf32, #tpu.memory_space<vmem>>
    tpu.enqueue_dma source(%dma_start3A_235 : memref<32x128xf32, #tpu.memory_space<vmem>>) target(%dma_start3A_231 : memref<32x128xf32, #tpu.memory_space<hbm>>) target_semaphore(%arg12 : memref<!tpu.dma_semaphore, #tpu.memory_space<semaphore_mem>>)
    %add3A_236 = arith.constant 2048 : i32
    %add3A_237 = arith.addi %add3A_236, %mul3A_2 : i32
    %add3A_238 = arith.constant 0 : i32
    %add3A_239 = arith.addi %add3A_237, %add3A_238 : i32
    %dma_start3A_240 = arith.constant 0 : i32
    %dma_start3A_241 = arith.constant 1 : i32
    %dma_start3A_242 = arith.constant 0 : i32
    %dma_start3A_243 = arith.constant 0 : i32
    %dma_start3A_244 = tpu.memref_slice %arg7[%dma_start3A_240, %dma_start3A_241, %dma_start3A_242, %dma_start3A_243] : memref<2x4x32x128xf32, #tpu.memory_space<vmem>> -> memref<1x1x32x128xf32, #tpu.memory_space<vmem>>
    %dma_start3A_245 = tpu.memref_squeeze %dma_start3A_244 : memref<1x1x32x128xf32, #tpu.memory_space<vmem>> -> memref<32x128xf32, #tpu.memory_space<vmem>>
    %dma_start3A_246 = arith.constant 0 : i32
    %dma_start3A_247 = tpu.memref_slice %arg5[%add3A_239, %dma_start3A_246] : memref<8192x128xf32, #tpu.memory_space<hbm>> -> memref<32x128xf32, #tpu.memory_space<hbm>>
    %dma_start3A_248 = arith.constant 0 : i32
    %dma_start3A_249 = tpu.memref_slice %arg5[%add3A_239, %dma_start3A_248] : memref<8192x128xf32, #tpu.memory_space<hbm>> -> memref<32x128xf32, #tpu.memory_space<hbm>>
    %dma_start3A_250 = arith.constant 0 : i32
    %dma_start3A_251 = arith.constant 0 : i32
    %dma_start3A_252 = tpu.memref_slice %arg7[%dma_start3A_240, %dma_start3A_241, %dma_start3A_250, %dma_start3A_251] : memref<2x4x32x128xf32, #tpu.memory_space<vmem>> -> memref<1x1x32x128xf32, #tpu.memory_space<vmem>>
    %dma_start3A_253 = tpu.memref_squeeze %dma_start3A_252 : memref<1x1x32x128xf32, #tpu.memory_space<vmem>> -> memref<32x128xf32, #tpu.memory_space<vmem>>
    tpu.enqueue_dma source(%dma_start3A_253 : memref<32x128xf32, #tpu.memory_space<vmem>>) target(%dma_start3A_249 : memref<32x128xf32, #tpu.memory_space<hbm>>) target_semaphore(%arg12 : memref<!tpu.dma_semaphore, #tpu.memory_space<semaphore_mem>>)
    %add3A_254 = arith.constant 4096 : i32
    %add3A_255 = arith.addi %add3A_254, %mul3A_2 : i32
    %add3A_256 = arith.constant 0 : i32
    %add3A_257 = arith.addi %add3A_255, %add3A_256 : i32
    %dma_start3A_258 = arith.constant 0 : i32
    %dma_start3A_259 = arith.constant 2 : i32
    %dma_start3A_260 = arith.constant 0 : i32
    %dma_start3A_261 = arith.constant 0 : i32
    %dma_start3A_262 = tpu.memref_slice %arg7[%dma_start3A_258, %dma_start3A_259, %dma_start3A_260, %dma_start3A_261] : memref<2x4x32x128xf32, #tpu.memory_space<vmem>> -> memref<1x1x32x128xf32, #tpu.memory_space<vmem>>
    %dma_start3A_263 = tpu.memref_squeeze %dma_start3A_262 : memref<1x1x32x128xf32, #tpu.memory_space<vmem>> -> memref<32x128xf32, #tpu.memory_space<vmem>>
    %dma_start3A_264 = arith.constant 0 : i32
    %dma_start3A_265 = tpu.memref_slice %arg5[%add3A_257, %dma_start3A_264] : memref<8192x128xf32, #tpu.memory_space<hbm>> -> memref<32x128xf32, #tpu.memory_space<hbm>>
    %dma_start3A_266 = arith.constant 0 : i32
    %dma_start3A_267 = tpu.memref_slice %arg5[%add3A_257, %dma_start3A_266] : memref<8192x128xf32, #tpu.memory_space<hbm>> -> memref<32x128xf32, #tpu.memory_space<hbm>>
    %dma_start3A_268 = arith.constant 0 : i32
    %dma_start3A_269 = arith.constant 0 : i32
    %dma_start3A_270 = tpu.memref_slice %arg7[%dma_start3A_258, %dma_start3A_259, %dma_start3A_268, %dma_start3A_269] : memref<2x4x32x128xf32, #tpu.memory_space<vmem>> -> memref<1x1x32x128xf32, #tpu.memory_space<vmem>>
    %dma_start3A_271 = tpu.memref_squeeze %dma_start3A_270 : memref<1x1x32x128xf32, #tpu.memory_space<vmem>> -> memref<32x128xf32, #tpu.memory_space<vmem>>
    tpu.enqueue_dma source(%dma_start3A_271 : memref<32x128xf32, #tpu.memory_space<vmem>>) target(%dma_start3A_267 : memref<32x128xf32, #tpu.memory_space<hbm>>) target_semaphore(%arg12 : memref<!tpu.dma_semaphore, #tpu.memory_space<semaphore_mem>>)
    %add3A_272 = arith.constant 6144 : i32
    %add3A_273 = arith.addi %add3A_272, %mul3A_2 : i32
    %add3A_274 = arith.constant 0 : i32
    %add3A_275 = arith.addi %add3A_273, %add3A_274 : i32
    %dma_start3A_276 = arith.constant 0 : i32
    %dma_start3A_277 = arith.constant 3 : i32
    %dma_start3A_278 = arith.constant 0 : i32
    %dma_start3A_279 = arith.constant 0 : i32
    %dma_start3A_280 = tpu.memref_slice %arg7[%dma_start3A_276, %dma_start3A_277, %dma_start3A_278, %dma_start3A_279] : memref<2x4x32x128xf32, #tpu.memory_space<vmem>> -> memref<1x1x32x128xf32, #tpu.memory_space<vmem>>
    %dma_start3A_281 = tpu.memref_squeeze %dma_start3A_280 : memref<1x1x32x128xf32, #tpu.memory_space<vmem>> -> memref<32x128xf32, #tpu.memory_space<vmem>>
    %dma_start3A_282 = arith.constant 0 : i32
    %dma_start3A_283 = tpu.memref_slice %arg5[%add3A_275, %dma_start3A_282] : memref<8192x128xf32, #tpu.memory_space<hbm>> -> memref<32x128xf32, #tpu.memory_space<hbm>>
    %dma_start3A_284 = arith.constant 0 : i32
    %dma_start3A_285 = tpu.memref_slice %arg5[%add3A_275, %dma_start3A_284] : memref<8192x128xf32, #tpu.memory_space<hbm>> -> memref<32x128xf32, #tpu.memory_space<hbm>>
    %dma_start3A_286 = arith.constant 0 : i32
    %dma_start3A_287 = arith.constant 0 : i32
    %dma_start3A_288 = tpu.memref_slice %arg7[%dma_start3A_276, %dma_start3A_277, %dma_start3A_286, %dma_start3A_287] : memref<2x4x32x128xf32, #tpu.memory_space<vmem>> -> memref<1x1x32x128xf32, #tpu.memory_space<vmem>>
    %dma_start3A_289 = tpu.memref_squeeze %dma_start3A_288 : memref<1x1x32x128xf32, #tpu.memory_space<vmem>> -> memref<32x128xf32, #tpu.memory_space<vmem>>
    tpu.enqueue_dma source(%dma_start3A_289 : memref<32x128xf32, #tpu.memory_space<vmem>>) target(%dma_start3A_285 : memref<32x128xf32, #tpu.memory_space<hbm>>) target_semaphore(%arg12 : memref<!tpu.dma_semaphore, #tpu.memory_space<semaphore_mem>>)
    %dma_wait3A_290 = arith.constant 1 : i32
    %dma_wait3A_291 = arith.constant 0 : i32
    %dma_wait3A_292 = arith.constant 0 : i32
    %dma_wait3A_293 = arith.constant 0 : i32
    %dma_wait3A_294 = tpu.memref_slice %arg7[%dma_wait3A_290, %dma_wait3A_291, %dma_wait3A_292, %dma_wait3A_293] : memref<2x4x32x128xf32, #tpu.memory_space<vmem>> -> memref<1x1x32x128xf32, #tpu.memory_space<vmem>>
    %dma_wait3A_295 = tpu.memref_squeeze %dma_wait3A_294 : memref<1x1x32x128xf32, #tpu.memory_space<vmem>> -> memref<32x128xf32, #tpu.memory_space<vmem>>
    %dma_wait3A_296 = arith.constant 32 : i32
    %dma_wait3A_297 = tpu.memref_slice %arg6[%dma_wait3A_296] : memref<256xi32, #tpu.memory_space<vmem>> -> memref<32xi32, #tpu.memory_space<vmem>>
    %dma_wait3A_298 = arith.constant 0 : i32
    %dma_wait3A_299 = arith.constant 0 : i32
    %dma_wait3A_300 = tpu.memref_slice %arg3[%dma_wait3A_298, %dma_wait3A_299] : memref<100000x128xf32, #tpu.memory_space<hbm>> -> memref<100000x128xf32, #tpu.memory_space<hbm>>
    tpu.wait_indirect_dma semaphore(%arg11 : memref<!tpu.dma_semaphore, #tpu.memory_space<semaphore_mem>>) src(%dma_wait3A_300 : memref<100000x128xf32, #tpu.memory_space<hbm>>) dst(%dma_wait3A_295 : memref<32x128xf32, #tpu.memory_space<vmem>>)
    %dma_wait3A_301 = arith.constant 1 : i32
    %dma_wait3A_302 = arith.constant 1 : i32
    %dma_wait3A_303 = arith.constant 0 : i32
    %dma_wait3A_304 = arith.constant 0 : i32
    %dma_wait3A_305 = tpu.memref_slice %arg7[%dma_wait3A_301, %dma_wait3A_302, %dma_wait3A_303, %dma_wait3A_304] : memref<2x4x32x128xf32, #tpu.memory_space<vmem>> -> memref<1x1x32x128xf32, #tpu.memory_space<vmem>>
    %dma_wait3A_306 = tpu.memref_squeeze %dma_wait3A_305 : memref<1x1x32x128xf32, #tpu.memory_space<vmem>> -> memref<32x128xf32, #tpu.memory_space<vmem>>
    %dma_wait3A_307 = arith.constant 96 : i32
    %dma_wait3A_308 = tpu.memref_slice %arg6[%dma_wait3A_307] : memref<256xi32, #tpu.memory_space<vmem>> -> memref<32xi32, #tpu.memory_space<vmem>>
    %dma_wait3A_309 = arith.constant 0 : i32
    %dma_wait3A_310 = arith.constant 0 : i32
    %dma_wait3A_311 = tpu.memref_slice %arg3[%dma_wait3A_309, %dma_wait3A_310] : memref<100000x128xf32, #tpu.memory_space<hbm>> -> memref<100000x128xf32, #tpu.memory_space<hbm>>
    tpu.wait_indirect_dma semaphore(%arg11 : memref<!tpu.dma_semaphore, #tpu.memory_space<semaphore_mem>>) src(%dma_wait3A_311 : memref<100000x128xf32, #tpu.memory_space<hbm>>) dst(%dma_wait3A_306 : memref<32x128xf32, #tpu.memory_space<vmem>>)
    %dma_wait3A_312 = arith.constant 1 : i32
    %dma_wait3A_313 = arith.constant 2 : i32
    %dma_wait3A_314 = arith.constant 0 : i32
    %dma_wait3A_315 = arith.constant 0 : i32
    %dma_wait3A_316 = tpu.memref_slice %arg7[%dma_wait3A_312, %dma_wait3A_313, %dma_wait3A_314, %dma_wait3A_315] : memref<2x4x32x128xf32, #tpu.memory_space<vmem>> -> memref<1x1x32x128xf32, #tpu.memory_space<vmem>>
    %dma_wait3A_317 = tpu.memref_squeeze %dma_wait3A_316 : memref<1x1x32x128xf32, #tpu.memory_space<vmem>> -> memref<32x128xf32, #tpu.memory_space<vmem>>
    %dma_wait3A_318 = arith.constant 160 : i32
    %dma_wait3A_319 = tpu.memref_slice %arg6[%dma_wait3A_318] : memref<256xi32, #tpu.memory_space<vmem>> -> memref<32xi32, #tpu.memory_space<vmem>>
    %dma_wait3A_320 = arith.constant 0 : i32
    %dma_wait3A_321 = arith.constant 0 : i32
    %dma_wait3A_322 = tpu.memref_slice %arg3[%dma_wait3A_320, %dma_wait3A_321] : memref<100000x128xf32, #tpu.memory_space<hbm>> -> memref<100000x128xf32, #tpu.memory_space<hbm>>
    tpu.wait_indirect_dma semaphore(%arg11 : memref<!tpu.dma_semaphore, #tpu.memory_space<semaphore_mem>>) src(%dma_wait3A_322 : memref<100000x128xf32, #tpu.memory_space<hbm>>) dst(%dma_wait3A_317 : memref<32x128xf32, #tpu.memory_space<vmem>>)
    %dma_wait3A_323 = arith.constant 1 : i32
    %dma_wait3A_324 = arith.constant 3 : i32
    %dma_wait3A_325 = arith.constant 0 : i32
    %dma_wait3A_326 = arith.constant 0 : i32
    %dma_wait3A_327 = tpu.memref_slice %arg7[%dma_wait3A_323, %dma_wait3A_324, %dma_wait3A_325, %dma_wait3A_326] : memref<2x4x32x128xf32, #tpu.memory_space<vmem>> -> memref<1x1x32x128xf32, #tpu.memory_space<vmem>>
    %dma_wait3A_328 = tpu.memref_squeeze %dma_wait3A_327 : memref<1x1x32x128xf32, #tpu.memory_space<vmem>> -> memref<32x128xf32, #tpu.memory_space<vmem>>
    %dma_wait3A_329 = arith.constant 224 : i32
    %dma_wait3A_330 = tpu.memref_slice %arg6[%dma_wait3A_329] : memref<256xi32, #tpu.memory_space<vmem>> -> memref<32xi32, #tpu.memory_space<vmem>>
    %dma_wait3A_331 = arith.constant 0 : i32
    %dma_wait3A_332 = arith.constant 0 : i32
    %dma_wait3A_333 = tpu.memref_slice %arg3[%dma_wait3A_331, %dma_wait3A_332] : memref<100000x128xf32, #tpu.memory_space<hbm>> -> memref<100000x128xf32, #tpu.memory_space<hbm>>
    tpu.wait_indirect_dma semaphore(%arg11 : memref<!tpu.dma_semaphore, #tpu.memory_space<semaphore_mem>>) src(%dma_wait3A_333 : memref<100000x128xf32, #tpu.memory_space<hbm>>) dst(%dma_wait3A_328 : memref<32x128xf32, #tpu.memory_space<vmem>>)
    %scan3A_334 = arith.constant 0 : i32
    %scan3A_335 = arith.constant 0 : i32
    %scan3A_336 = arith.constant 32 : i32
    %scan3A_337 = arith.addi %scan3A_335, %scan3A_336 : i32
    %scan3A_338 = arith.constant 1 : i32
    scf.for %scan3A_524 = %scan3A_335 to %scan3A_337 step %scan3A_338  : i32 {
      %add3A_525 = arith.constant 32 : i32
      %add3A_526 = arith.addi %add3A_525, %scan3A_524 : i32
      %get3A = arith.index_cast %add3A_526 : i32 to index
      %get3A_527 = arith.constant 0 : index
      %get3A_528 = tpu.vector_load %arg8[%get3A, %get3A_527] {strides = array<i32>} : memref<64x128xf32, #tpu.memory_space<vmem>>, vector<1x16xf32>,
      %get3A_529 = vector.shape_cast %get3A_528 : vector<1x16xf32> to vector<16xf32>
      %get3A_530 = arith.constant 1 : i32
      %get3A_531 = arith.constant 0 : i32
      %get3A_532 = arith.index_cast %get3A_530 : i32 to index
      %get3A_533 = arith.index_cast %get3A_531 : i32 to index
      %get3A_534 = arith.index_cast %scan3A_524 : i32 to index
      %get3A_535 = arith.constant 0 : index
      %get3A_536 = tpu.vector_load %arg7[%get3A_532, %get3A_533, %get3A_534, %get3A_535] {strides = array<i32>} : memref<2x4x32x128xf32, #tpu.memory_space<vmem>>, vector<1x1x1x16xf32>,
      %get3A_537 = vector.shape_cast %get3A_536 : vector<1x1x1x16xf32> to vector<16xf32>
      %add3A_538 = arith.addf %get3A_537, %get3A_529 : vector<16xf32>
      %swap3A = arith.constant 1 : i32
      %swap3A_539 = arith.constant 0 : i32
      %swap3A_540 = arith.index_cast %swap3A : i32 to index
      %swap3A_541 = arith.index_cast %swap3A_539 : i32 to index
      %swap3A_542 = arith.index_cast %scan3A_524 : i32 to index
      %swap3A_543 = arith.constant 0 : index
      %swap3A_544 = tpu.vector_load %arg7[%swap3A_540, %swap3A_541, %swap3A_542, %swap3A_543] {strides = array<i32>} : memref<2x4x32x128xf32, #tpu.memory_space<vmem>>, vector<1x1x1x16xf32>,
      %swap3A_545 = vector.shape_cast %swap3A_544 : vector<1x1x1x16xf32> to vector<16xf32>
      %swap3A_546 = vector.shape_cast %add3A_538 : vector<16xf32> to vector<1x1x1x16xf32>
      tpu.vector_store %arg7[%swap3A_540, %swap3A_541, %swap3A_542, %swap3A_543], %swap3A_546 {strides = array<i32>} : memref<2x4x32x128xf32, #tpu.memory_space<vmem>>, vector<1x1x1x16xf32>,
      %get3A_547 = arith.constant 1 : i32
      %get3A_548 = arith.constant 1 : i32
      %get3A_549 = arith.index_cast %get3A_547 : i32 to index
      %get3A_550 = arith.index_cast %get3A_548 : i32 to index
      %get3A_551 = arith.index_cast %scan3A_524 : i32 to index
      %get3A_552 = arith.constant 0 : index
      %get3A_553 = tpu.vector_load %arg7[%get3A_549, %get3A_550, %get3A_551, %get3A_552] {strides = array<i32>} : memref<2x4x32x128xf32, #tpu.memory_space<vmem>>, vector<1x1x1x16xf32>,
      %get3A_554 = vector.shape_cast %get3A_553 : vector<1x1x1x16xf32> to vector<16xf32>
      %add3A_555 = arith.addf %get3A_554, %get3A_529 : vector<16xf32>
      %swap3A_556 = arith.constant 1 : i32
      %swap3A_557 = arith.constant 1 : i32
      %swap3A_558 = arith.index_cast %swap3A_556 : i32 to index
      %swap3A_559 = arith.index_cast %swap3A_557 : i32 to index
      %swap3A_560 = arith.index_cast %scan3A_524 : i32 to index
      %swap3A_561 = arith.constant 0 : index
      %swap3A_562 = tpu.vector_load %arg7[%swap3A_558, %swap3A_559, %swap3A_560, %swap3A_561] {strides = array<i32>} : memref<2x4x32x128xf32, #tpu.memory_space<vmem>>, vector<1x1x1x16xf32>,
      %swap3A_563 = vector.shape_cast %swap3A_562 : vector<1x1x1x16xf32> to vector<16xf32>
      %swap3A_564 = vector.shape_cast %add3A_555 : vector<16xf32> to vector<1x1x1x16xf32>
      tpu.vector_store %arg7[%swap3A_558, %swap3A_559, %swap3A_560, %swap3A_561], %swap3A_564 {strides = array<i32>} : memref<2x4x32x128xf32, #tpu.memory_space<vmem>>, vector<1x1x1x16xf32>,
      %get3A_565 = arith.constant 1 : i32
      %get3A_566 = arith.constant 2 : i32
      %get3A_567 = arith.index_cast %get3A_565 : i32 to index
      %get3A_568 = arith.index_cast %get3A_566 : i32 to index
      %get3A_569 = arith.index_cast %scan3A_524 : i32 to index
      %get3A_570 = arith.constant 0 : index
      %get3A_571 = tpu.vector_load %arg7[%get3A_567, %get3A_568, %get3A_569, %get3A_570] {strides = array<i32>} : memref<2x4x32x128xf32, #tpu.memory_space<vmem>>, vector<1x1x1x16xf32>,
      %get3A_572 = vector.shape_cast %get3A_571 : vector<1x1x1x16xf32> to vector<16xf32>
      %add3A_573 = arith.addf %get3A_572, %get3A_529 : vector<16xf32>
      %swap3A_574 = arith.constant 1 : i32
      %swap3A_575 = arith.constant 2 : i32
      %swap3A_576 = arith.index_cast %swap3A_574 : i32 to index
      %swap3A_577 = arith.index_cast %swap3A_575 : i32 to index
      %swap3A_578 = arith.index_cast %scan3A_524 : i32 to index
      %swap3A_579 = arith.constant 0 : index
      %swap3A_580 = tpu.vector_load %arg7[%swap3A_576, %swap3A_577, %swap3A_578, %swap3A_579] {strides = array<i32>} : memref<2x4x32x128xf32, #tpu.memory_space<vmem>>, vector<1x1x1x16xf32>,
      %swap3A_581 = vector.shape_cast %swap3A_580 : vector<1x1x1x16xf32> to vector<16xf32>
      %swap3A_582 = vector.shape_cast %add3A_573 : vector<16xf32> to vector<1x1x1x16xf32>
      tpu.vector_store %arg7[%swap3A_576, %swap3A_577, %swap3A_578, %swap3A_579], %swap3A_582 {strides = array<i32>} : memref<2x4x32x128xf32, #tpu.memory_space<vmem>>, vector<1x1x1x16xf32>,
      %get3A_583 = arith.constant 1 : i32
      %get3A_584 = arith.constant 3 : i32
      %get3A_585 = arith.index_cast %get3A_583 : i32 to index
      %get3A_586 = arith.index_cast %get3A_584 : i32 to index
      %get3A_587 = arith.index_cast %scan3A_524 : i32 to index
      %get3A_588 = arith.constant 0 : index
      %get3A_589 = tpu.vector_load %arg7[%get3A_585, %get3A_586, %get3A_587, %get3A_588] {strides = array<i32>} : memref<2x4x32x128xf32, #tpu.memory_space<vmem>>, vector<1x1x1x16xf32>,
      %get3A_590 = vector.shape_cast %get3A_589 : vector<1x1x1x16xf32> to vector<16xf32>
      %add3A_591 = arith.addf %get3A_590, %get3A_529 : vector<16xf32>
      %swap3A_592 = arith.constant 1 : i32
      %swap3A_593 = arith.constant 3 : i32
      %swap3A_594 = arith.index_cast %swap3A_592 : i32 to index
      %swap3A_595 = arith.index_cast %swap3A_593 : i32 to index
      %swap3A_596 = arith.index_cast %scan3A_524 : i32 to index
      %swap3A_597 = arith.constant 0 : index
      %swap3A_598 = tpu.vector_load %arg7[%swap3A_594, %swap3A_595, %swap3A_596, %swap3A_597] {strides = array<i32>} : memref<2x4x32x128xf32, #tpu.memory_space<vmem>>, vector<1x1x1x16xf32>,
      %swap3A_599 = vector.shape_cast %swap3A_598 : vector<1x1x1x16xf32> to vector<16xf32>
      %swap3A_600 = vector.shape_cast %add3A_591 : vector<16xf32> to vector<1x1x1x16xf32>
      tpu.vector_store %arg7[%swap3A_594, %swap3A_595, %swap3A_596, %swap3A_597], %swap3A_600 {strides = array<i32>} : memref<2x4x32x128xf32, #tpu.memory_space<vmem>>, vector<1x1x1x16xf32>,
      %get3A_601 = arith.index_cast %add3A_526 : i32 to index
      %get3A_602 = arith.constant 16 : index
      %get3A_603 = tpu.vector_load %arg8[%get3A_601, %get3A_602] {strides = array<i32>} : memref<64x128xf32, #tpu.memory_space<vmem>>, vector<1x16xf32>,
      %get3A_604 = vector.shape_cast %get3A_603 : vector<1x16xf32> to vector<16xf32>
      %get3A_605 = arith.constant 1 : i32
      %get3A_606 = arith.constant 0 : i32
      %get3A_607 = arith.index_cast %get3A_605 : i32 to index
      %get3A_608 = arith.index_cast %get3A_606 : i32 to index
      %get3A_609 = arith.index_cast %scan3A_524 : i32 to index
      %get3A_610 = arith.constant 16 : index
      %get3A_611 = tpu.vector_load %arg7[%get3A_607, %get3A_608, %get3A_609, %get3A_610] {strides = array<i32>} : memref<2x4x32x128xf32, #tpu.memory_space<vmem>>, vector<1x1x1x16xf32>,
      %get3A_612 = vector.shape_cast %get3A_611 : vector<1x1x1x16xf32> to vector<16xf32>
      %add3A_613 = arith.addf %get3A_612, %get3A_604 : vector<16xf32>
      %swap3A_614 = arith.constant 1 : i32
      %swap3A_615 = arith.constant 0 : i32
      %swap3A_616 = arith.index_cast %swap3A_614 : i32 to index
      %swap3A_617 = arith.index_cast %swap3A_615 : i32 to index
      %swap3A_618 = arith.index_cast %scan3A_524 : i32 to index
      %swap3A_619 = arith.constant 16 : index
      %swap3A_620 = tpu.vector_load %arg7[%swap3A_616, %swap3A_617, %swap3A_618, %swap3A_619] {strides = array<i32>} : memref<2x4x32x128xf32, #tpu.memory_space<vmem>>, vector<1x1x1x16xf32>,
      %swap3A_621 = vector.shape_cast %swap3A_620 : vector<1x1x1x16xf32> to vector<16xf32>
      %swap3A_622 = vector.shape_cast %add3A_613 : vector<16xf32> to vector<1x1x1x16xf32>
      tpu.vector_store %arg7[%swap3A_616, %swap3A_617, %swap3A_618, %swap3A_619], %swap3A_622 {strides = array<i32>} : memref<2x4x32x128xf32, #tpu.memory_space<vmem>>, vector<1x1x1x16xf32>,
      %get3A_623 = arith.constant 1 : i32
      %get3A_624 = arith.constant 1 : i32
      %get3A_625 = arith.index_cast %get3A_623 : i32 to index
      %get3A_626 = arith.index_cast %get3A_624 : i32 to index
      %get3A_627 = arith.index_cast %scan3A_524 : i32 to index
      %get3A_628 = arith.constant 16 : index
      %get3A_629 = tpu.vector_load %arg7[%get3A_625, %get3A_626, %get3A_627, %get3A_628] {strides = array<i32>} : memref<2x4x32x128xf32, #tpu.memory_space<vmem>>, vector<1x1x1x16xf32>,
      %get3A_630 = vector.shape_cast %get3A_629 : vector<1x1x1x16xf32> to vector<16xf32>
      %add3A_631 = arith.addf %get3A_630, %get3A_604 : vector<16xf32>
      %swap3A_632 = arith.constant 1 : i32
      %swap3A_633 = arith.constant 1 : i32
      %swap3A_634 = arith.index_cast %swap3A_632 : i32 to index
      %swap3A_635 = arith.index_cast %swap3A_633 : i32 to index
      %swap3A_636 = arith.index_cast %scan3A_524 : i32 to index
      %swap3A_637 = arith.constant 16 : index
      %swap3A_638 = tpu.vector_load %arg7[%swap3A_634, %swap3A_635, %swap3A_636, %swap3A_637] {strides = array<i32>} : memref<2x4x32x128xf32, #tpu.memory_space<vmem>>, vector<1x1x1x16xf32>,
      %swap3A_639 = vector.shape_cast %swap3A_638 : vector<1x1x1x16xf32> to vector<16xf32>
      %swap3A_640 = vector.shape_cast %add3A_631 : vector<16xf32> to vector<1x1x1x16xf32>
      tpu.vector_store %arg7[%swap3A_634, %swap3A_635, %swap3A_636, %swap3A_637], %swap3A_640 {strides = array<i32>} : memref<2x4x32x128xf32, #tpu.memory_space<vmem>>, vector<1x1x1x16xf32>,
      %get3A_641 = arith.constant 1 : i32
      %get3A_642 = arith.constant 2 : i32
      %get3A_643 = arith.index_cast %get3A_641 : i32 to index
      %get3A_644 = arith.index_cast %get3A_642 : i32 to index
      %get3A_645 = arith.index_cast %scan3A_524 : i32 to index
      %get3A_646 = arith.constant 16 : index
      %get3A_647 = tpu.vector_load %arg7[%get3A_643, %get3A_644, %get3A_645, %get3A_646] {strides = array<i32>} : memref<2x4x32x128xf32, #tpu.memory_space<vmem>>, vector<1x1x1x16xf32>,
      %get3A_648 = vector.shape_cast %get3A_647 : vector<1x1x1x16xf32> to vector<16xf32>
      %add3A_649 = arith.addf %get3A_648, %get3A_604 : vector<16xf32>
      %swap3A_650 = arith.constant 1 : i32
      %swap3A_651 = arith.constant 2 : i32
      %swap3A_652 = arith.index_cast %swap3A_650 : i32 to index
      %swap3A_653 = arith.index_cast %swap3A_651 : i32 to index
      %swap3A_654 = arith.index_cast %scan3A_524 : i32 to index
      %swap3A_655 = arith.constant 16 : index
      %swap3A_656 = tpu.vector_load %arg7[%swap3A_652, %swap3A_653, %swap3A_654, %swap3A_655] {strides = array<i32>} : memref<2x4x32x128xf32, #tpu.memory_space<vmem>>, vector<1x1x1x16xf32>,
      %swap3A_657 = vector.shape_cast %swap3A_656 : vector<1x1x1x16xf32> to vector<16xf32>
      %swap3A_658 = vector.shape_cast %add3A_649 : vector<16xf32> to vector<1x1x1x16xf32>
      tpu.vector_store %arg7[%swap3A_652, %swap3A_653, %swap3A_654, %swap3A_655], %swap3A_658 {strides = array<i32>} : memref<2x4x32x128xf32, #tpu.memory_space<vmem>>, vector<1x1x1x16xf32>,
      %get3A_659 = arith.constant 1 : i32
      %get3A_660 = arith.constant 3 : i32
      %get3A_661 = arith.index_cast %get3A_659 : i32 to index
      %get3A_662 = arith.index_cast %get3A_660 : i32 to index
      %get3A_663 = arith.index_cast %scan3A_524 : i32 to index
      %get3A_664 = arith.constant 16 : index
      %get3A_665 = tpu.vector_load %arg7[%get3A_661, %get3A_662, %get3A_663, %get3A_664] {strides = array<i32>} : memref<2x4x32x128xf32, #tpu.memory_space<vmem>>, vector<1x1x1x16xf32>,
      %get3A_666 = vector.shape_cast %get3A_665 : vector<1x1x1x16xf32> to vector<16xf32>
      %add3A_667 = arith.addf %get3A_666, %get3A_604 : vector<16xf32>
      %swap3A_668 = arith.constant 1 : i32
      %swap3A_669 = arith.constant 3 : i32
      %swap3A_670 = arith.index_cast %swap3A_668 : i32 to index
      %swap3A_671 = arith.index_cast %swap3A_669 : i32 to index
      %swap3A_672 = arith.index_cast %scan3A_524 : i32 to index
      %swap3A_673 = arith.constant 16 : index
      %swap3A_674 = tpu.vector_load %arg7[%swap3A_670, %swap3A_671, %swap3A_672, %swap3A_673] {strides = array<i32>} : memref<2x4x32x128xf32, #tpu.memory_space<vmem>>, vector<1x1x1x16xf32>,
      %swap3A_675 = vector.shape_cast %swap3A_674 : vector<1x1x1x16xf32> to vector<16xf32>
      %swap3A_676 = vector.shape_cast %add3A_667 : vector<16xf32> to vector<1x1x1x16xf32>
      tpu.vector_store %arg7[%swap3A_670, %swap3A_671, %swap3A_672, %swap3A_673], %swap3A_676 {strides = array<i32>} : memref<2x4x32x128xf32, #tpu.memory_space<vmem>>, vector<1x1x1x16xf32>,
      %get3A_677 = arith.index_cast %add3A_526 : i32 to index
      %get3A_678 = arith.constant 32 : index
      %get3A_679 = tpu.vector_load %arg8[%get3A_677, %get3A_678] {strides = array<i32>} : memref<64x128xf32, #tpu.memory_space<vmem>>, vector<1x16xf32>,
      %get3A_680 = vector.shape_cast %get3A_679 : vector<1x16xf32> to vector<16xf32>
      %get3A_681 = arith.constant 1 : i32
      %get3A_682 = arith.constant 0 : i32
      %get3A_683 = arith.index_cast %get3A_681 : i32 to index
      %get3A_684 = arith.index_cast %get3A_682 : i32 to index
      %get3A_685 = arith.index_cast %scan3A_524 : i32 to index
      %get3A_686 = arith.constant 32 : index
      %get3A_687 = tpu.vector_load %arg7[%get3A_683, %get3A_684, %get3A_685, %get3A_686] {strides = array<i32>} : memref<2x4x32x128xf32, #tpu.memory_space<vmem>>, vector<1x1x1x16xf32>,
      %get3A_688 = vector.shape_cast %get3A_687 : vector<1x1x1x16xf32> to vector<16xf32>
      %add3A_689 = arith.addf %get3A_688, %get3A_680 : vector<16xf32>
      %swap3A_690 = arith.constant 1 : i32
      %swap3A_691 = arith.constant 0 : i32
      %swap3A_692 = arith.index_cast %swap3A_690 : i32 to index
      %swap3A_693 = arith.index_cast %swap3A_691 : i32 to index
      %swap3A_694 = arith.index_cast %scan3A_524 : i32 to index
      %swap3A_695 = arith.constant 32 : index
      %swap3A_696 = tpu.vector_load %arg7[%swap3A_692, %swap3A_693, %swap3A_694, %swap3A_695] {strides = array<i32>} : memref<2x4x32x128xf32, #tpu.memory_space<vmem>>, vector<1x1x1x16xf32>,
      %swap3A_697 = vector.shape_cast %swap3A_696 : vector<1x1x1x16xf32> to vector<16xf32>
      %swap3A_698 = vector.shape_cast %add3A_689 : vector<16xf32> to vector<1x1x1x16xf32>
      tpu.vector_store %arg7[%swap3A_692, %swap3A_693, %swap3A_694, %swap3A_695], %swap3A_698 {strides = array<i32>} : memref<2x4x32x128xf32, #tpu.memory_space<vmem>>, vector<1x1x1x16xf32>,
      %get3A_699 = arith.constant 1 : i32
      %get3A_700 = arith.constant 1 : i32
      %get3A_701 = arith.index_cast %get3A_699 : i32 to index
      %get3A_702 = arith.index_cast %get3A_700 : i32 to index
      %get3A_703 = arith.index_cast %scan3A_524 : i32 to index
      %get3A_704 = arith.constant 32 : index
      %get3A_705 = tpu.vector_load %arg7[%get3A_701, %get3A_702, %get3A_703, %get3A_704] {strides = array<i32>} : memref<2x4x32x128xf32, #tpu.memory_space<vmem>>, vector<1x1x1x16xf32>,
      %get3A_706 = vector.shape_cast %get3A_705 : vector<1x1x1x16xf32> to vector<16xf32>
      %add3A_707 = arith.addf %get3A_706, %get3A_680 : vector<16xf32>
      %swap3A_708 = arith.constant 1 : i32
      %swap3A_709 = arith.constant 1 : i32
      %swap3A_710 = arith.index_cast %swap3A_708 : i32 to index
      %swap3A_711 = arith.index_cast %swap3A_709 : i32 to index
      %swap3A_712 = arith.index_cast %scan3A_524 : i32 to index
      %swap3A_713 = arith.constant 32 : index
      %swap3A_714 = tpu.vector_load %arg7[%swap3A_710, %swap3A_711, %swap3A_712, %swap3A_713] {strides = array<i32>} : memref<2x4x32x128xf32, #tpu.memory_space<vmem>>, vector<1x1x1x16xf32>,
      %swap3A_715 = vector.shape_cast %swap3A_714 : vector<1x1x1x16xf32> to vector<16xf32>
      %swap3A_716 = vector.shape_cast %add3A_707 : vector<16xf32> to vector<1x1x1x16xf32>
      tpu.vector_store %arg7[%swap3A_710, %swap3A_711, %swap3A_712, %swap3A_713], %swap3A_716 {strides = array<i32>} : memref<2x4x32x128xf32, #tpu.memory_space<vmem>>, vector<1x1x1x16xf32>,
      %get3A_717 = arith.constant 1 : i32
      %get3A_718 = arith.constant 2 : i32
      %get3A_719 = arith.index_cast %get3A_717 : i32 to index
      %get3A_720 = arith.index_cast %get3A_718 : i32 to index
      %get3A_721 = arith.index_cast %scan3A_524 : i32 to index
      %get3A_722 = arith.constant 32 : index
      %get3A_723 = tpu.vector_load %arg7[%get3A_719, %get3A_720, %get3A_721, %get3A_722] {strides = array<i32>} : memref<2x4x32x128xf32, #tpu.memory_space<vmem>>, vector<1x1x1x16xf32>,
      %get3A_724 = vector.shape_cast %get3A_723 : vector<1x1x1x16xf32> to vector<16xf32>
      %add3A_725 = arith.addf %get3A_724, %get3A_680 : vector<16xf32>
      %swap3A_726 = arith.constant 1 : i32
      %swap3A_727 = arith.constant 2 : i32
      %swap3A_728 = arith.index_cast %swap3A_726 : i32 to index
      %swap3A_729 = arith.index_cast %swap3A_727 : i32 to index
      %swap3A_730 = arith.index_cast %scan3A_524 : i32 to index
      %swap3A_731 = arith.constant 32 : index
      %swap3A_732 = tpu.vector_load %arg7[%swap3A_728, %swap3A_729, %swap3A_730, %swap3A_731] {strides = array<i32>} : memref<2x4x32x128xf32, #tpu.memory_space<vmem>>, vector<1x1x1x16xf32>,
      %swap3A_733 = vector.shape_cast %swap3A_732 : vector<1x1x1x16xf32> to vector<16xf32>
      %swap3A_734 = vector.shape_cast %add3A_725 : vector<16xf32> to vector<1x1x1x16xf32>
      tpu.vector_store %arg7[%swap3A_728, %swap3A_729, %swap3A_730, %swap3A_731], %swap3A_734 {strides = array<i32>} : memref<2x4x32x128xf32, #tpu.memory_space<vmem>>, vector<1x1x1x16xf32>,
      %get3A_735 = arith.constant 1 : i32
      %get3A_736 = arith.constant 3 : i32
      %get3A_737 = arith.index_cast %get3A_735 : i32 to index
      %get3A_738 = arith.index_cast %get3A_736 : i32 to index
      %get3A_739 = arith.index_cast %scan3A_524 : i32 to index
      %get3A_740 = arith.constant 32 : index
      %get3A_741 = tpu.vector_load %arg7[%get3A_737, %get3A_738, %get3A_739, %get3A_740] {strides = array<i32>} : memref<2x4x32x128xf32, #tpu.memory_space<vmem>>, vector<1x1x1x16xf32>,
      %get3A_742 = vector.shape_cast %get3A_741 : vector<1x1x1x16xf32> to vector<16xf32>
      %add3A_743 = arith.addf %get3A_742, %get3A_680 : vector<16xf32>
      %swap3A_744 = arith.constant 1 : i32
      %swap3A_745 = arith.constant 3 : i32
      %swap3A_746 = arith.index_cast %swap3A_744 : i32 to index
      %swap3A_747 = arith.index_cast %swap3A_745 : i32 to index
      %swap3A_748 = arith.index_cast %scan3A_524 : i32 to index
      %swap3A_749 = arith.constant 32 : index
      %swap3A_750 = tpu.vector_load %arg7[%swap3A_746, %swap3A_747, %swap3A_748, %swap3A_749] {strides = array<i32>} : memref<2x4x32x128xf32, #tpu.memory_space<vmem>>, vector<1x1x1x16xf32>,
      %swap3A_751 = vector.shape_cast %swap3A_750 : vector<1x1x1x16xf32> to vector<16xf32>
      %swap3A_752 = vector.shape_cast %add3A_743 : vector<16xf32> to vector<1x1x1x16xf32>
      tpu.vector_store %arg7[%swap3A_746, %swap3A_747, %swap3A_748, %swap3A_749], %swap3A_752 {strides = array<i32>} : memref<2x4x32x128xf32, #tpu.memory_space<vmem>>, vector<1x1x1x16xf32>,
      %get3A_753 = arith.index_cast %add3A_526 : i32 to index
      %get3A_754 = arith.constant 48 : index
      %get3A_755 = tpu.vector_load %arg8[%get3A_753, %get3A_754] {strides = array<i32>} : memref<64x128xf32, #tpu.memory_space<vmem>>, vector<1x16xf32>,
      %get3A_756 = vector.shape_cast %get3A_755 : vector<1x16xf32> to vector<16xf32>
      %get3A_757 = arith.constant 1 : i32
      %get3A_758 = arith.constant 0 : i32
      %get3A_759 = arith.index_cast %get3A_757 : i32 to index
      %get3A_760 = arith.index_cast %get3A_758 : i32 to index
      %get3A_761 = arith.index_cast %scan3A_524 : i32 to index
      %get3A_762 = arith.constant 48 : index
      %get3A_763 = tpu.vector_load %arg7[%get3A_759, %get3A_760, %get3A_761, %get3A_762] {strides = array<i32>} : memref<2x4x32x128xf32, #tpu.memory_space<vmem>>, vector<1x1x1x16xf32>,
      %get3A_764 = vector.shape_cast %get3A_763 : vector<1x1x1x16xf32> to vector<16xf32>
      %add3A_765 = arith.addf %get3A_764, %get3A_756 : vector<16xf32>
      %swap3A_766 = arith.constant 1 : i32
      %swap3A_767 = arith.constant 0 : i32
      %swap3A_768 = arith.index_cast %swap3A_766 : i32 to index
      %swap3A_769 = arith.index_cast %swap3A_767 : i32 to index
      %swap3A_770 = arith.index_cast %scan3A_524 : i32 to index
      %swap3A_771 = arith.constant 48 : index
      %swap3A_772 = tpu.vector_load %arg7[%swap3A_768, %swap3A_769, %swap3A_770, %swap3A_771] {strides = array<i32>} : memref<2x4x32x128xf32, #tpu.memory_space<vmem>>, vector<1x1x1x16xf32>,
      %swap3A_773 = vector.shape_cast %swap3A_772 : vector<1x1x1x16xf32> to vector<16xf32>
      %swap3A_774 = vector.shape_cast %add3A_765 : vector<16xf32> to vector<1x1x1x16xf32>
      tpu.vector_store %arg7[%swap3A_768, %swap3A_769, %swap3A_770, %swap3A_771], %swap3A_774 {strides = array<i32>} : memref<2x4x32x128xf32, #tpu.memory_space<vmem>>, vector<1x1x1x16xf32>,
      %get3A_775 = arith.constant 1 : i32
      %get3A_776 = arith.constant 1 : i32
      %get3A_777 = arith.index_cast %get3A_775 : i32 to index
      %get3A_778 = arith.index_cast %get3A_776 : i32 to index
      %get3A_779 = arith.index_cast %scan3A_524 : i32 to index
      %get3A_780 = arith.constant 48 : index
      %get3A_781 = tpu.vector_load %arg7[%get3A_777, %get3A_778, %get3A_779, %get3A_780] {strides = array<i32>} : memref<2x4x32x128xf32, #tpu.memory_space<vmem>>, vector<1x1x1x16xf32>,
      %get3A_782 = vector.shape_cast %get3A_781 : vector<1x1x1x16xf32> to vector<16xf32>
      %add3A_783 = arith.addf %get3A_782, %get3A_756 : vector<16xf32>
      %swap3A_784 = arith.constant 1 : i32
      %swap3A_785 = arith.constant 1 : i32
      %swap3A_786 = arith.index_cast %swap3A_784 : i32 to index
      %swap3A_787 = arith.index_cast %swap3A_785 : i32 to index
      %swap3A_788 = arith.index_cast %scan3A_524 : i32 to index
      %swap3A_789 = arith.constant 48 : index
      %swap3A_790 = tpu.vector_load %arg7[%swap3A_786, %swap3A_787, %swap3A_788, %swap3A_789] {strides = array<i32>} : memref<2x4x32x128xf32, #tpu.memory_space<vmem>>, vector<1x1x1x16xf32>,
      %swap3A_791 = vector.shape_cast %swap3A_790 : vector<1x1x1x16xf32> to vector<16xf32>
      %swap3A_792 = vector.shape_cast %add3A_783 : vector<16xf32> to vector<1x1x1x16xf32>
      tpu.vector_store %arg7[%swap3A_786, %swap3A_787, %swap3A_788, %swap3A_789], %swap3A_792 {strides = array<i32>} : memref<2x4x32x128xf32, #tpu.memory_space<vmem>>, vector<1x1x1x16xf32>,
      %get3A_793 = arith.constant 1 : i32
      %get3A_794 = arith.constant 2 : i32
      %get3A_795 = arith.index_cast %get3A_793 : i32 to index
      %get3A_796 = arith.index_cast %get3A_794 : i32 to index
      %get3A_797 = arith.index_cast %scan3A_524 : i32 to index
      %get3A_798 = arith.constant 48 : index
      %get3A_799 = tpu.vector_load %arg7[%get3A_795, %get3A_796, %get3A_797, %get3A_798] {strides = array<i32>} : memref<2x4x32x128xf32, #tpu.memory_space<vmem>>, vector<1x1x1x16xf32>,
      %get3A_800 = vector.shape_cast %get3A_799 : vector<1x1x1x16xf32> to vector<16xf32>
      %add3A_801 = arith.addf %get3A_800, %get3A_756 : vector<16xf32>
      %swap3A_802 = arith.constant 1 : i32
      %swap3A_803 = arith.constant 2 : i32
      %swap3A_804 = arith.index_cast %swap3A_802 : i32 to index
      %swap3A_805 = arith.index_cast %swap3A_803 : i32 to index
      %swap3A_806 = arith.index_cast %scan3A_524 : i32 to index
      %swap3A_807 = arith.constant 48 : index
      %swap3A_808 = tpu.vector_load %arg7[%swap3A_804, %swap3A_805, %swap3A_806, %swap3A_807] {strides = array<i32>} : memref<2x4x32x128xf32, #tpu.memory_space<vmem>>, vector<1x1x1x16xf32>,
      %swap3A_809 = vector.shape_cast %swap3A_808 : vector<1x1x1x16xf32> to vector<16xf32>
      %swap3A_810 = vector.shape_cast %add3A_801 : vector<16xf32> to vector<1x1x1x16xf32>
      tpu.vector_store %arg7[%swap3A_804, %swap3A_805, %swap3A_806, %swap3A_807], %swap3A_810 {strides = array<i32>} : memref<2x4x32x128xf32, #tpu.memory_space<vmem>>, vector<1x1x1x16xf32>,
      %get3A_811 = arith.constant 1 : i32
      %get3A_812 = arith.constant 3 : i32
      %get3A_813 = arith.index_cast %get3A_811 : i32 to index
      %get3A_814 = arith.index_cast %get3A_812 : i32 to index
      %get3A_815 = arith.index_cast %scan3A_524 : i32 to index
      %get3A_816 = arith.constant 48 : index
      %get3A_817 = tpu.vector_load %arg7[%get3A_813, %get3A_814, %get3A_815, %get3A_816] {strides = array<i32>} : memref<2x4x32x128xf32, #tpu.memory_space<vmem>>, vector<1x1x1x16xf32>,
      %get3A_818 = vector.shape_cast %get3A_817 : vector<1x1x1x16xf32> to vector<16xf32>
      %add3A_819 = arith.addf %get3A_818, %get3A_756 : vector<16xf32>
      %swap3A_820 = arith.constant 1 : i32
      %swap3A_821 = arith.constant 3 : i32
      %swap3A_822 = arith.index_cast %swap3A_820 : i32 to index
      %swap3A_823 = arith.index_cast %swap3A_821 : i32 to index
      %swap3A_824 = arith.index_cast %scan3A_524 : i32 to index
      %swap3A_825 = arith.constant 48 : index
      %swap3A_826 = tpu.vector_load %arg7[%swap3A_822, %swap3A_823, %swap3A_824, %swap3A_825] {strides = array<i32>} : memref<2x4x32x128xf32, #tpu.memory_space<vmem>>, vector<1x1x1x16xf32>,
      %swap3A_827 = vector.shape_cast %swap3A_826 : vector<1x1x1x16xf32> to vector<16xf32>
      %swap3A_828 = vector.shape_cast %add3A_819 : vector<16xf32> to vector<1x1x1x16xf32>
      tpu.vector_store %arg7[%swap3A_822, %swap3A_823, %swap3A_824, %swap3A_825], %swap3A_828 {strides = array<i32>} : memref<2x4x32x128xf32, #tpu.memory_space<vmem>>, vector<1x1x1x16xf32>,
      %get3A_829 = arith.index_cast %add3A_526 : i32 to index
      %get3A_830 = arith.constant 64 : index
      %get3A_831 = tpu.vector_load %arg8[%get3A_829, %get3A_830] {strides = array<i32>} : memref<64x128xf32, #tpu.memory_space<vmem>>, vector<1x16xf32>,
      %get3A_832 = vector.shape_cast %get3A_831 : vector<1x16xf32> to vector<16xf32>
      %get3A_833 = arith.constant 1 : i32
      %get3A_834 = arith.constant 0 : i32
      %get3A_835 = arith.index_cast %get3A_833 : i32 to index
      %get3A_836 = arith.index_cast %get3A_834 : i32 to index
      %get3A_837 = arith.index_cast %scan3A_524 : i32 to index
      %get3A_838 = arith.constant 64 : index
      %get3A_839 = tpu.vector_load %arg7[%get3A_835, %get3A_836, %get3A_837, %get3A_838] {strides = array<i32>} : memref<2x4x32x128xf32, #tpu.memory_space<vmem>>, vector<1x1x1x16xf32>,
      %get3A_840 = vector.shape_cast %get3A_839 : vector<1x1x1x16xf32> to vector<16xf32>
      %add3A_841 = arith.addf %get3A_840, %get3A_832 : vector<16xf32>
      %swap3A_842 = arith.constant 1 : i32
      %swap3A_843 = arith.constant 0 : i32
      %swap3A_844 = arith.index_cast %swap3A_842 : i32 to index
      %swap3A_845 = arith.index_cast %swap3A_843 : i32 to index
      %swap3A_846 = arith.index_cast %scan3A_524 : i32 to index
      %swap3A_847 = arith.constant 64 : index
      %swap3A_848 = tpu.vector_load %arg7[%swap3A_844, %swap3A_845, %swap3A_846, %swap3A_847] {strides = array<i32>} : memref<2x4x32x128xf32, #tpu.memory_space<vmem>>, vector<1x1x1x16xf32>,
      %swap3A_849 = vector.shape_cast %swap3A_848 : vector<1x1x1x16xf32> to vector<16xf32>
      %swap3A_850 = vector.shape_cast %add3A_841 : vector<16xf32> to vector<1x1x1x16xf32>
      tpu.vector_store %arg7[%swap3A_844, %swap3A_845, %swap3A_846, %swap3A_847], %swap3A_850 {strides = array<i32>} : memref<2x4x32x128xf32, #tpu.memory_space<vmem>>, vector<1x1x1x16xf32>,
      %get3A_851 = arith.constant 1 : i32
      %get3A_852 = arith.constant 1 : i32
      %get3A_853 = arith.index_cast %get3A_851 : i32 to index
      %get3A_854 = arith.index_cast %get3A_852 : i32 to index
      %get3A_855 = arith.index_cast %scan3A_524 : i32 to index
      %get3A_856 = arith.constant 64 : index
      %get3A_857 = tpu.vector_load %arg7[%get3A_853, %get3A_854, %get3A_855, %get3A_856] {strides = array<i32>} : memref<2x4x32x128xf32, #tpu.memory_space<vmem>>, vector<1x1x1x16xf32>,
      %get3A_858 = vector.shape_cast %get3A_857 : vector<1x1x1x16xf32> to vector<16xf32>
      %add3A_859 = arith.addf %get3A_858, %get3A_832 : vector<16xf32>
      %swap3A_860 = arith.constant 1 : i32
      %swap3A_861 = arith.constant 1 : i32
      %swap3A_862 = arith.index_cast %swap3A_860 : i32 to index
      %swap3A_863 = arith.index_cast %swap3A_861 : i32 to index
      %swap3A_864 = arith.index_cast %scan3A_524 : i32 to index
      %swap3A_865 = arith.constant 64 : index
      %swap3A_866 = tpu.vector_load %arg7[%swap3A_862, %swap3A_863, %swap3A_864, %swap3A_865] {strides = array<i32>} : memref<2x4x32x128xf32, #tpu.memory_space<vmem>>, vector<1x1x1x16xf32>,
      %swap3A_867 = vector.shape_cast %swap3A_866 : vector<1x1x1x16xf32> to vector<16xf32>
      %swap3A_868 = vector.shape_cast %add3A_859 : vector<16xf32> to vector<1x1x1x16xf32>
      tpu.vector_store %arg7[%swap3A_862, %swap3A_863, %swap3A_864, %swap3A_865], %swap3A_868 {strides = array<i32>} : memref<2x4x32x128xf32, #tpu.memory_space<vmem>>, vector<1x1x1x16xf32>,
      %get3A_869 = arith.constant 1 : i32
      %get3A_870 = arith.constant 2 : i32
      %get3A_871 = arith.index_cast %get3A_869 : i32 to index
      %get3A_872 = arith.index_cast %get3A_870 : i32 to index
      %get3A_873 = arith.index_cast %scan3A_524 : i32 to index
      %get3A_874 = arith.constant 64 : index
      %get3A_875 = tpu.vector_load %arg7[%get3A_871, %get3A_872, %get3A_873, %get3A_874] {strides = array<i32>} : memref<2x4x32x128xf32, #tpu.memory_space<vmem>>, vector<1x1x1x16xf32>,
      %get3A_876 = vector.shape_cast %get3A_875 : vector<1x1x1x16xf32> to vector<16xf32>
      %add3A_877 = arith.addf %get3A_876, %get3A_832 : vector<16xf32>
      %swap3A_878 = arith.constant 1 : i32
      %swap3A_879 = arith.constant 2 : i32
      %swap3A_880 = arith.index_cast %swap3A_878 : i32 to index
      %swap3A_881 = arith.index_cast %swap3A_879 : i32 to index
      %swap3A_882 = arith.index_cast %scan3A_524 : i32 to index
      %swap3A_883 = arith.constant 64 : index
      %swap3A_884 = tpu.vector_load %arg7[%swap3A_880, %swap3A_881, %swap3A_882, %swap3A_883] {strides = array<i32>} : memref<2x4x32x128xf32, #tpu.memory_space<vmem>>, vector<1x1x1x16xf32>,
      %swap3A_885 = vector.shape_cast %swap3A_884 : vector<1x1x1x16xf32> to vector<16xf32>
      %swap3A_886 = vector.shape_cast %add3A_877 : vector<16xf32> to vector<1x1x1x16xf32>
      tpu.vector_store %arg7[%swap3A_880, %swap3A_881, %swap3A_882, %swap3A_883], %swap3A_886 {strides = array<i32>} : memref<2x4x32x128xf32, #tpu.memory_space<vmem>>, vector<1x1x1x16xf32>,
      %get3A_887 = arith.constant 1 : i32
      %get3A_888 = arith.constant 3 : i32
      %get3A_889 = arith.index_cast %get3A_887 : i32 to index
      %get3A_890 = arith.index_cast %get3A_888 : i32 to index
      %get3A_891 = arith.index_cast %scan3A_524 : i32 to index
      %get3A_892 = arith.constant 64 : index
      %get3A_893 = tpu.vector_load %arg7[%get3A_889, %get3A_890, %get3A_891, %get3A_892] {strides = array<i32>} : memref<2x4x32x128xf32, #tpu.memory_space<vmem>>, vector<1x1x1x16xf32>,
      %get3A_894 = vector.shape_cast %get3A_893 : vector<1x1x1x16xf32> to vector<16xf32>
      %add3A_895 = arith.addf %get3A_894, %get3A_832 : vector<16xf32>
      %swap3A_896 = arith.constant 1 : i32
      %swap3A_897 = arith.constant 3 : i32
      %swap3A_898 = arith.index_cast %swap3A_896 : i32 to index
      %swap3A_899 = arith.index_cast %swap3A_897 : i32 to index
      %swap3A_900 = arith.index_cast %scan3A_524 : i32 to index
      %swap3A_901 = arith.constant 64 : index
      %swap3A_902 = tpu.vector_load %arg7[%swap3A_898, %swap3A_899, %swap3A_900, %swap3A_901] {strides = array<i32>} : memref<2x4x32x128xf32, #tpu.memory_space<vmem>>, vector<1x1x1x16xf32>,
      %swap3A_903 = vector.shape_cast %swap3A_902 : vector<1x1x1x16xf32> to vector<16xf32>
      %swap3A_904 = vector.shape_cast %add3A_895 : vector<16xf32> to vector<1x1x1x16xf32>
      tpu.vector_store %arg7[%swap3A_898, %swap3A_899, %swap3A_900, %swap3A_901], %swap3A_904 {strides = array<i32>} : memref<2x4x32x128xf32, #tpu.memory_space<vmem>>, vector<1x1x1x16xf32>,
      %get3A_905 = arith.index_cast %add3A_526 : i32 to index
      %get3A_906 = arith.constant 80 : index
      %get3A_907 = tpu.vector_load %arg8[%get3A_905, %get3A_906] {strides = array<i32>} : memref<64x128xf32, #tpu.memory_space<vmem>>, vector<1x16xf32>,
      %get3A_908 = vector.shape_cast %get3A_907 : vector<1x16xf32> to vector<16xf32>
      %get3A_909 = arith.constant 1 : i32
      %get3A_910 = arith.constant 0 : i32
      %get3A_911 = arith.index_cast %get3A_909 : i32 to index
      %get3A_912 = arith.index_cast %get3A_910 : i32 to index
      %get3A_913 = arith.index_cast %scan3A_524 : i32 to index
      %get3A_914 = arith.constant 80 : index
      %get3A_915 = tpu.vector_load %arg7[%get3A_911, %get3A_912, %get3A_913, %get3A_914] {strides = array<i32>} : memref<2x4x32x128xf32, #tpu.memory_space<vmem>>, vector<1x1x1x16xf32>,
      %get3A_916 = vector.shape_cast %get3A_915 : vector<1x1x1x16xf32> to vector<16xf32>
      %add3A_917 = arith.addf %get3A_916, %get3A_908 : vector<16xf32>
      %swap3A_918 = arith.constant 1 : i32
      %swap3A_919 = arith.constant 0 : i32
      %swap3A_920 = arith.index_cast %swap3A_918 : i32 to index
      %swap3A_921 = arith.index_cast %swap3A_919 : i32 to index
      %swap3A_922 = arith.index_cast %scan3A_524 : i32 to index
      %swap3A_923 = arith.constant 80 : index
      %swap3A_924 = tpu.vector_load %arg7[%swap3A_920, %swap3A_921, %swap3A_922, %swap3A_923] {strides = array<i32>} : memref<2x4x32x128xf32, #tpu.memory_space<vmem>>, vector<1x1x1x16xf32>,
      %swap3A_925 = vector.shape_cast %swap3A_924 : vector<1x1x1x16xf32> to vector<16xf32>
      %swap3A_926 = vector.shape_cast %add3A_917 : vector<16xf32> to vector<1x1x1x16xf32>
      tpu.vector_store %arg7[%swap3A_920, %swap3A_921, %swap3A_922, %swap3A_923], %swap3A_926 {strides = array<i32>} : memref<2x4x32x128xf32, #tpu.memory_space<vmem>>, vector<1x1x1x16xf32>,
      %get3A_927 = arith.constant 1 : i32
      %get3A_928 = arith.constant 1 : i32
      %get3A_929 = arith.index_cast %get3A_927 : i32 to index
      %get3A_930 = arith.index_cast %get3A_928 : i32 to index
      %get3A_931 = arith.index_cast %scan3A_524 : i32 to index
      %get3A_932 = arith.constant 80 : index
      %get3A_933 = tpu.vector_load %arg7[%get3A_929, %get3A_930, %get3A_931, %get3A_932] {strides = array<i32>} : memref<2x4x32x128xf32, #tpu.memory_space<vmem>>, vector<1x1x1x16xf32>,
      %get3A_934 = vector.shape_cast %get3A_933 : vector<1x1x1x16xf32> to vector<16xf32>
      %add3A_935 = arith.addf %get3A_934, %get3A_908 : vector<16xf32>
      %swap3A_936 = arith.constant 1 : i32
      %swap3A_937 = arith.constant 1 : i32
      %swap3A_938 = arith.index_cast %swap3A_936 : i32 to index
      %swap3A_939 = arith.index_cast %swap3A_937 : i32 to index
      %swap3A_940 = arith.index_cast %scan3A_524 : i32 to index
      %swap3A_941 = arith.constant 80 : index
      %swap3A_942 = tpu.vector_load %arg7[%swap3A_938, %swap3A_939, %swap3A_940, %swap3A_941] {strides = array<i32>} : memref<2x4x32x128xf32, #tpu.memory_space<vmem>>, vector<1x1x1x16xf32>,
      %swap3A_943 = vector.shape_cast %swap3A_942 : vector<1x1x1x16xf32> to vector<16xf32>
      %swap3A_944 = vector.shape_cast %add3A_935 : vector<16xf32> to vector<1x1x1x16xf32>
      tpu.vector_store %arg7[%swap3A_938, %swap3A_939, %swap3A_940, %swap3A_941], %swap3A_944 {strides = array<i32>} : memref<2x4x32x128xf32, #tpu.memory_space<vmem>>, vector<1x1x1x16xf32>,
      %get3A_945 = arith.constant 1 : i32
      %get3A_946 = arith.constant 2 : i32
      %get3A_947 = arith.index_cast %get3A_945 : i32 to index
      %get3A_948 = arith.index_cast %get3A_946 : i32 to index
      %get3A_949 = arith.index_cast %scan3A_524 : i32 to index
      %get3A_950 = arith.constant 80 : index
      %get3A_951 = tpu.vector_load %arg7[%get3A_947, %get3A_948, %get3A_949, %get3A_950] {strides = array<i32>} : memref<2x4x32x128xf32, #tpu.memory_space<vmem>>, vector<1x1x1x16xf32>,
      %get3A_952 = vector.shape_cast %get3A_951 : vector<1x1x1x16xf32> to vector<16xf32>
      %add3A_953 = arith.addf %get3A_952, %get3A_908 : vector<16xf32>
      %swap3A_954 = arith.constant 1 : i32
      %swap3A_955 = arith.constant 2 : i32
      %swap3A_956 = arith.index_cast %swap3A_954 : i32 to index
      %swap3A_957 = arith.index_cast %swap3A_955 : i32 to index
      %swap3A_958 = arith.index_cast %scan3A_524 : i32 to index
      %swap3A_959 = arith.constant 80 : index
      %swap3A_960 = tpu.vector_load %arg7[%swap3A_956, %swap3A_957, %swap3A_958, %swap3A_959] {strides = array<i32>} : memref<2x4x32x128xf32, #tpu.memory_space<vmem>>, vector<1x1x1x16xf32>,
      %swap3A_961 = vector.shape_cast %swap3A_960 : vector<1x1x1x16xf32> to vector<16xf32>
      %swap3A_962 = vector.shape_cast %add3A_953 : vector<16xf32> to vector<1x1x1x16xf32>
      tpu.vector_store %arg7[%swap3A_956, %swap3A_957, %swap3A_958, %swap3A_959], %swap3A_962 {strides = array<i32>} : memref<2x4x32x128xf32, #tpu.memory_space<vmem>>, vector<1x1x1x16xf32>,
      %get3A_963 = arith.constant 1 : i32
      %get3A_964 = arith.constant 3 : i32
      %get3A_965 = arith.index_cast %get3A_963 : i32 to index
      %get3A_966 = arith.index_cast %get3A_964 : i32 to index
      %get3A_967 = arith.index_cast %scan3A_524 : i32 to index
      %get3A_968 = arith.constant 80 : index
      %get3A_969 = tpu.vector_load %arg7[%get3A_965, %get3A_966, %get3A_967, %get3A_968] {strides = array<i32>} : memref<2x4x32x128xf32, #tpu.memory_space<vmem>>, vector<1x1x1x16xf32>,
      %get3A_970 = vector.shape_cast %get3A_969 : vector<1x1x1x16xf32> to vector<16xf32>
      %add3A_971 = arith.addf %get3A_970, %get3A_908 : vector<16xf32>
      %swap3A_972 = arith.constant 1 : i32
      %swap3A_973 = arith.constant 3 : i32
      %swap3A_974 = arith.index_cast %swap3A_972 : i32 to index
      %swap3A_975 = arith.index_cast %swap3A_973 : i32 to index
      %swap3A_976 = arith.index_cast %scan3A_524 : i32 to index
      %swap3A_977 = arith.constant 80 : index
      %swap3A_978 = tpu.vector_load %arg7[%swap3A_974, %swap3A_975, %swap3A_976, %swap3A_977] {strides = array<i32>} : memref<2x4x32x128xf32, #tpu.memory_space<vmem>>, vector<1x1x1x16xf32>,
      %swap3A_979 = vector.shape_cast %swap3A_978 : vector<1x1x1x16xf32> to vector<16xf32>
      %swap3A_980 = vector.shape_cast %add3A_971 : vector<16xf32> to vector<1x1x1x16xf32>
      tpu.vector_store %arg7[%swap3A_974, %swap3A_975, %swap3A_976, %swap3A_977], %swap3A_980 {strides = array<i32>} : memref<2x4x32x128xf32, #tpu.memory_space<vmem>>, vector<1x1x1x16xf32>,
      %get3A_981 = arith.index_cast %add3A_526 : i32 to index
      %get3A_982 = arith.constant 96 : index
      %get3A_983 = tpu.vector_load %arg8[%get3A_981, %get3A_982] {strides = array<i32>} : memref<64x128xf32, #tpu.memory_space<vmem>>, vector<1x16xf32>,
      %get3A_984 = vector.shape_cast %get3A_983 : vector<1x16xf32> to vector<16xf32>
      %get3A_985 = arith.constant 1 : i32
      %get3A_986 = arith.constant 0 : i32
      %get3A_987 = arith.index_cast %get3A_985 : i32 to index
      %get3A_988 = arith.index_cast %get3A_986 : i32 to index
      %get3A_989 = arith.index_cast %scan3A_524 : i32 to index
      %get3A_990 = arith.constant 96 : index
      %get3A_991 = tpu.vector_load %arg7[%get3A_987, %get3A_988, %get3A_989, %get3A_990] {strides = array<i32>} : memref<2x4x32x128xf32, #tpu.memory_space<vmem>>, vector<1x1x1x16xf32>,
      %get3A_992 = vector.shape_cast %get3A_991 : vector<1x1x1x16xf32> to vector<16xf32>
      %add3A_993 = arith.addf %get3A_992, %get3A_984 : vector<16xf32>
      %swap3A_994 = arith.constant 1 : i32
      %swap3A_995 = arith.constant 0 : i32
      %swap3A_996 = arith.index_cast %swap3A_994 : i32 to index
      %swap3A_997 = arith.index_cast %swap3A_995 : i32 to index
      %swap3A_998 = arith.index_cast %scan3A_524 : i32 to index
      %swap3A_999 = arith.constant 96 : index
      %swap3A_1000 = tpu.vector_load %arg7[%swap3A_996, %swap3A_997, %swap3A_998, %swap3A_999] {strides = array<i32>} : memref<2x4x32x128xf32, #tpu.memory_space<vmem>>, vector<1x1x1x16xf32>,
      %swap3A_1001 = vector.shape_cast %swap3A_1000 : vector<1x1x1x16xf32> to vector<16xf32>
      %swap3A_1002 = vector.shape_cast %add3A_993 : vector<16xf32> to vector<1x1x1x16xf32>
      tpu.vector_store %arg7[%swap3A_996, %swap3A_997, %swap3A_998, %swap3A_999], %swap3A_1002 {strides = array<i32>} : memref<2x4x32x128xf32, #tpu.memory_space<vmem>>, vector<1x1x1x16xf32>,
      %get3A_1003 = arith.constant 1 : i32
      %get3A_1004 = arith.constant 1 : i32
      %get3A_1005 = arith.index_cast %get3A_1003 : i32 to index
      %get3A_1006 = arith.index_cast %get3A_1004 : i32 to index
      %get3A_1007 = arith.index_cast %scan3A_524 : i32 to index
      %get3A_1008 = arith.constant 96 : index
      %get3A_1009 = tpu.vector_load %arg7[%get3A_1005, %get3A_1006, %get3A_1007, %get3A_1008] {strides = array<i32>} : memref<2x4x32x128xf32, #tpu.memory_space<vmem>>, vector<1x1x1x16xf32>,
      %get3A_1010 = vector.shape_cast %get3A_1009 : vector<1x1x1x16xf32> to vector<16xf32>
      %add3A_1011 = arith.addf %get3A_1010, %get3A_984 : vector<16xf32>
      %swap3A_1012 = arith.constant 1 : i32
      %swap3A_1013 = arith.constant 1 : i32
      %swap3A_1014 = arith.index_cast %swap3A_1012 : i32 to index
      %swap3A_1015 = arith.index_cast %swap3A_1013 : i32 to index
      %swap3A_1016 = arith.index_cast %scan3A_524 : i32 to index
      %swap3A_1017 = arith.constant 96 : index
      %swap3A_1018 = tpu.vector_load %arg7[%swap3A_1014, %swap3A_1015, %swap3A_1016, %swap3A_1017] {strides = array<i32>} : memref<2x4x32x128xf32, #tpu.memory_space<vmem>>, vector<1x1x1x16xf32>,
      %swap3A_1019 = vector.shape_cast %swap3A_1018 : vector<1x1x1x16xf32> to vector<16xf32>
      %swap3A_1020 = vector.shape_cast %add3A_1011 : vector<16xf32> to vector<1x1x1x16xf32>
      tpu.vector_store %arg7[%swap3A_1014, %swap3A_1015, %swap3A_1016, %swap3A_1017], %swap3A_1020 {strides = array<i32>} : memref<2x4x32x128xf32, #tpu.memory_space<vmem>>, vector<1x1x1x16xf32>,
      %get3A_1021 = arith.constant 1 : i32
      %get3A_1022 = arith.constant 2 : i32
      %get3A_1023 = arith.index_cast %get3A_1021 : i32 to index
      %get3A_1024 = arith.index_cast %get3A_1022 : i32 to index
      %get3A_1025 = arith.index_cast %scan3A_524 : i32 to index
      %get3A_1026 = arith.constant 96 : index
      %get3A_1027 = tpu.vector_load %arg7[%get3A_1023, %get3A_1024, %get3A_1025, %get3A_1026] {strides = array<i32>} : memref<2x4x32x128xf32, #tpu.memory_space<vmem>>, vector<1x1x1x16xf32>,
      %get3A_1028 = vector.shape_cast %get3A_1027 : vector<1x1x1x16xf32> to vector<16xf32>
      %add3A_1029 = arith.addf %get3A_1028, %get3A_984 : vector<16xf32>
      %swap3A_1030 = arith.constant 1 : i32
      %swap3A_1031 = arith.constant 2 : i32
      %swap3A_1032 = arith.index_cast %swap3A_1030 : i32 to index
      %swap3A_1033 = arith.index_cast %swap3A_1031 : i32 to index
      %swap3A_1034 = arith.index_cast %scan3A_524 : i32 to index
      %swap3A_1035 = arith.constant 96 : index
      %swap3A_1036 = tpu.vector_load %arg7[%swap3A_1032, %swap3A_1033, %swap3A_1034, %swap3A_1035] {strides = array<i32>} : memref<2x4x32x128xf32, #tpu.memory_space<vmem>>, vector<1x1x1x16xf32>,
      %swap3A_1037 = vector.shape_cast %swap3A_1036 : vector<1x1x1x16xf32> to vector<16xf32>
      %swap3A_1038 = vector.shape_cast %add3A_1029 : vector<16xf32> to vector<1x1x1x16xf32>
      tpu.vector_store %arg7[%swap3A_1032, %swap3A_1033, %swap3A_1034, %swap3A_1035], %swap3A_1038 {strides = array<i32>} : memref<2x4x32x128xf32, #tpu.memory_space<vmem>>, vector<1x1x1x16xf32>,
      %get3A_1039 = arith.constant 1 : i32
      %get3A_1040 = arith.constant 3 : i32
      %get3A_1041 = arith.index_cast %get3A_1039 : i32 to index
      %get3A_1042 = arith.index_cast %get3A_1040 : i32 to index
      %get3A_1043 = arith.index_cast %scan3A_524 : i32 to index
      %get3A_1044 = arith.constant 96 : index
      %get3A_1045 = tpu.vector_load %arg7[%get3A_1041, %get3A_1042, %get3A_1043, %get3A_1044] {strides = array<i32>} : memref<2x4x32x128xf32, #tpu.memory_space<vmem>>, vector<1x1x1x16xf32>,
      %get3A_1046 = vector.shape_cast %get3A_1045 : vector<1x1x1x16xf32> to vector<16xf32>
      %add3A_1047 = arith.addf %get3A_1046, %get3A_984 : vector<16xf32>
      %swap3A_1048 = arith.constant 1 : i32
      %swap3A_1049 = arith.constant 3 : i32
      %swap3A_1050 = arith.index_cast %swap3A_1048 : i32 to index
      %swap3A_1051 = arith.index_cast %swap3A_1049 : i32 to index
      %swap3A_1052 = arith.index_cast %scan3A_524 : i32 to index
      %swap3A_1053 = arith.constant 96 : index
      %swap3A_1054 = tpu.vector_load %arg7[%swap3A_1050, %swap3A_1051, %swap3A_1052, %swap3A_1053] {strides = array<i32>} : memref<2x4x32x128xf32, #tpu.memory_space<vmem>>, vector<1x1x1x16xf32>,
      %swap3A_1055 = vector.shape_cast %swap3A_1054 : vector<1x1x1x16xf32> to vector<16xf32>
      %swap3A_1056 = vector.shape_cast %add3A_1047 : vector<16xf32> to vector<1x1x1x16xf32>
      tpu.vector_store %arg7[%swap3A_1050, %swap3A_1051, %swap3A_1052, %swap3A_1053], %swap3A_1056 {strides = array<i32>} : memref<2x4x32x128xf32, #tpu.memory_space<vmem>>, vector<1x1x1x16xf32>,
      %get3A_1057 = arith.index_cast %add3A_526 : i32 to index
      %get3A_1058 = arith.constant 112 : index
      %get3A_1059 = tpu.vector_load %arg8[%get3A_1057, %get3A_1058] {strides = array<i32>} : memref<64x128xf32, #tpu.memory_space<vmem>>, vector<1x16xf32>,
      %get3A_1060 = vector.shape_cast %get3A_1059 : vector<1x16xf32> to vector<16xf32>
      %get3A_1061 = arith.constant 1 : i32
      %get3A_1062 = arith.constant 0 : i32
      %get3A_1063 = arith.index_cast %get3A_1061 : i32 to index
      %get3A_1064 = arith.index_cast %get3A_1062 : i32 to index
      %get3A_1065 = arith.index_cast %scan3A_524 : i32 to index
      %get3A_1066 = arith.constant 112 : index
      %get3A_1067 = tpu.vector_load %arg7[%get3A_1063, %get3A_1064, %get3A_1065, %get3A_1066] {strides = array<i32>} : memref<2x4x32x128xf32, #tpu.memory_space<vmem>>, vector<1x1x1x16xf32>,
      %get3A_1068 = vector.shape_cast %get3A_1067 : vector<1x1x1x16xf32> to vector<16xf32>
      %add3A_1069 = arith.addf %get3A_1068, %get3A_1060 : vector<16xf32>
      %swap3A_1070 = arith.constant 1 : i32
      %swap3A_1071 = arith.constant 0 : i32
      %swap3A_1072 = arith.index_cast %swap3A_1070 : i32 to index
      %swap3A_1073 = arith.index_cast %swap3A_1071 : i32 to index
      %swap3A_1074 = arith.index_cast %scan3A_524 : i32 to index
      %swap3A_1075 = arith.constant 112 : index
      %swap3A_1076 = tpu.vector_load %arg7[%swap3A_1072, %swap3A_1073, %swap3A_1074, %swap3A_1075] {strides = array<i32>} : memref<2x4x32x128xf32, #tpu.memory_space<vmem>>, vector<1x1x1x16xf32>,
      %swap3A_1077 = vector.shape_cast %swap3A_1076 : vector<1x1x1x16xf32> to vector<16xf32>
      %swap3A_1078 = vector.shape_cast %add3A_1069 : vector<16xf32> to vector<1x1x1x16xf32>
      tpu.vector_store %arg7[%swap3A_1072, %swap3A_1073, %swap3A_1074, %swap3A_1075], %swap3A_1078 {strides = array<i32>} : memref<2x4x32x128xf32, #tpu.memory_space<vmem>>, vector<1x1x1x16xf32>,
      %get3A_1079 = arith.constant 1 : i32
      %get3A_1080 = arith.constant 1 : i32
      %get3A_1081 = arith.index_cast %get3A_1079 : i32 to index
      %get3A_1082 = arith.index_cast %get3A_1080 : i32 to index
      %get3A_1083 = arith.index_cast %scan3A_524 : i32 to index
      %get3A_1084 = arith.constant 112 : index
      %get3A_1085 = tpu.vector_load %arg7[%get3A_1081, %get3A_1082, %get3A_1083, %get3A_1084] {strides = array<i32>} : memref<2x4x32x128xf32, #tpu.memory_space<vmem>>, vector<1x1x1x16xf32>,
      %get3A_1086 = vector.shape_cast %get3A_1085 : vector<1x1x1x16xf32> to vector<16xf32>
      %add3A_1087 = arith.addf %get3A_1086, %get3A_1060 : vector<16xf32>
      %swap3A_1088 = arith.constant 1 : i32
      %swap3A_1089 = arith.constant 1 : i32
      %swap3A_1090 = arith.index_cast %swap3A_1088 : i32 to index
      %swap3A_1091 = arith.index_cast %swap3A_1089 : i32 to index
      %swap3A_1092 = arith.index_cast %scan3A_524 : i32 to index
      %swap3A_1093 = arith.constant 112 : index
      %swap3A_1094 = tpu.vector_load %arg7[%swap3A_1090, %swap3A_1091, %swap3A_1092, %swap3A_1093] {strides = array<i32>} : memref<2x4x32x128xf32, #tpu.memory_space<vmem>>, vector<1x1x1x16xf32>,
      %swap3A_1095 = vector.shape_cast %swap3A_1094 : vector<1x1x1x16xf32> to vector<16xf32>
      %swap3A_1096 = vector.shape_cast %add3A_1087 : vector<16xf32> to vector<1x1x1x16xf32>
      tpu.vector_store %arg7[%swap3A_1090, %swap3A_1091, %swap3A_1092, %swap3A_1093], %swap3A_1096 {strides = array<i32>} : memref<2x4x32x128xf32, #tpu.memory_space<vmem>>, vector<1x1x1x16xf32>,
      %get3A_1097 = arith.constant 1 : i32
      %get3A_1098 = arith.constant 2 : i32
      %get3A_1099 = arith.index_cast %get3A_1097 : i32 to index
      %get3A_1100 = arith.index_cast %get3A_1098 : i32 to index
      %get3A_1101 = arith.index_cast %scan3A_524 : i32 to index
      %get3A_1102 = arith.constant 112 : index
      %get3A_1103 = tpu.vector_load %arg7[%get3A_1099, %get3A_1100, %get3A_1101, %get3A_1102] {strides = array<i32>} : memref<2x4x32x128xf32, #tpu.memory_space<vmem>>, vector<1x1x1x16xf32>,
      %get3A_1104 = vector.shape_cast %get3A_1103 : vector<1x1x1x16xf32> to vector<16xf32>
      %add3A_1105 = arith.addf %get3A_1104, %get3A_1060 : vector<16xf32>
      %swap3A_1106 = arith.constant 1 : i32
      %swap3A_1107 = arith.constant 2 : i32
      %swap3A_1108 = arith.index_cast %swap3A_1106 : i32 to index
      %swap3A_1109 = arith.index_cast %swap3A_1107 : i32 to index
      %swap3A_1110 = arith.index_cast %scan3A_524 : i32 to index
      %swap3A_1111 = arith.constant 112 : index
      %swap3A_1112 = tpu.vector_load %arg7[%swap3A_1108, %swap3A_1109, %swap3A_1110, %swap3A_1111] {strides = array<i32>} : memref<2x4x32x128xf32, #tpu.memory_space<vmem>>, vector<1x1x1x16xf32>,
      %swap3A_1113 = vector.shape_cast %swap3A_1112 : vector<1x1x1x16xf32> to vector<16xf32>
      %swap3A_1114 = vector.shape_cast %add3A_1105 : vector<16xf32> to vector<1x1x1x16xf32>
      tpu.vector_store %arg7[%swap3A_1108, %swap3A_1109, %swap3A_1110, %swap3A_1111], %swap3A_1114 {strides = array<i32>} : memref<2x4x32x128xf32, #tpu.memory_space<vmem>>, vector<1x1x1x16xf32>,
      %get3A_1115 = arith.constant 1 : i32
      %get3A_1116 = arith.constant 3 : i32
      %get3A_1117 = arith.index_cast %get3A_1115 : i32 to index
      %get3A_1118 = arith.index_cast %get3A_1116 : i32 to index
      %get3A_1119 = arith.index_cast %scan3A_524 : i32 to index
      %get3A_1120 = arith.constant 112 : index
      %get3A_1121 = tpu.vector_load %arg7[%get3A_1117, %get3A_1118, %get3A_1119, %get3A_1120] {strides = array<i32>} : memref<2x4x32x128xf32, #tpu.memory_space<vmem>>, vector<1x1x1x16xf32>,
      %get3A_1122 = vector.shape_cast %get3A_1121 : vector<1x1x1x16xf32> to vector<16xf32>
      %add3A_1123 = arith.addf %get3A_1122, %get3A_1060 : vector<16xf32>
      %swap3A_1124 = arith.constant 1 : i32
      %swap3A_1125 = arith.constant 3 : i32
      %swap3A_1126 = arith.index_cast %swap3A_1124 : i32 to index
      %swap3A_1127 = arith.index_cast %swap3A_1125 : i32 to index
      %swap3A_1128 = arith.index_cast %scan3A_524 : i32 to index
      %swap3A_1129 = arith.constant 112 : index
      %swap3A_1130 = tpu.vector_load %arg7[%swap3A_1126, %swap3A_1127, %swap3A_1128, %swap3A_1129] {strides = array<i32>} : memref<2x4x32x128xf32, #tpu.memory_space<vmem>>, vector<1x1x1x16xf32>,
      %swap3A_1131 = vector.shape_cast %swap3A_1130 : vector<1x1x1x16xf32> to vector<16xf32>
      %swap3A_1132 = vector.shape_cast %add3A_1123 : vector<16xf32> to vector<1x1x1x16xf32>
      tpu.vector_store %arg7[%swap3A_1126, %swap3A_1127, %swap3A_1128, %swap3A_1129], %swap3A_1132 {strides = array<i32>} : memref<2x4x32x128xf32, #tpu.memory_space<vmem>>, vector<1x1x1x16xf32>,
    }
    %scan3A_339 = arith.constant 32 : i32
    %add3A_340 = arith.constant 0 : i32
    %add3A_341 = arith.addi %add3A_340, %mul3A_2 : i32
    %add3A_342 = arith.constant 32 : i32
    %add3A_343 = arith.addi %add3A_341, %add3A_342 : i32
    %dma_start3A_344 = arith.constant 1 : i32
    %dma_start3A_345 = arith.constant 0 : i32
    %dma_start3A_346 = arith.constant 0 : i32
    %dma_start3A_347 = arith.constant 0 : i32
    %dma_start3A_348 = tpu.memref_slice %arg7[%dma_start3A_344, %dma_start3A_345, %dma_start3A_346, %dma_start3A_347] : memref<2x4x32x128xf32, #tpu.memory_space<vmem>> -> memref<1x1x32x128xf32, #tpu.memory_space<vmem>>
    %dma_start3A_349 = tpu.memref_squeeze %dma_start3A_348 : memref<1x1x32x128xf32, #tpu.memory_space<vmem>> -> memref<32x128xf32, #tpu.memory_space<vmem>>
    %dma_start3A_350 = arith.constant 0 : i32
    %dma_start3A_351 = tpu.memref_slice %arg5[%add3A_343, %dma_start3A_350] : memref<8192x128xf32, #tpu.memory_space<hbm>> -> memref<32x128xf32, #tpu.memory_space<hbm>>
    %dma_start3A_352 = arith.constant 0 : i32
    %dma_start3A_353 = tpu.memref_slice %arg5[%add3A_343, %dma_start3A_352] : memref<8192x128xf32, #tpu.memory_space<hbm>> -> memref<32x128xf32, #tpu.memory_space<hbm>>
    %dma_start3A_354 = arith.constant 0 : i32
    %dma_start3A_355 = arith.constant 0 : i32
    %dma_start3A_356 = tpu.memref_slice %arg7[%dma_start3A_344, %dma_start3A_345, %dma_start3A_354, %dma_start3A_355] : memref<2x4x32x128xf32, #tpu.memory_space<vmem>> -> memref<1x1x32x128xf32, #tpu.memory_space<vmem>>
    %dma_start3A_357 = tpu.memref_squeeze %dma_start3A_356 : memref<1x1x32x128xf32, #tpu.memory_space<vmem>> -> memref<32x128xf32, #tpu.memory_space<vmem>>
    tpu.enqueue_dma source(%dma_start3A_357 : memref<32x128xf32, #tpu.memory_space<vmem>>) target(%dma_start3A_353 : memref<32x128xf32, #tpu.memory_space<hbm>>) target_semaphore(%arg12 : memref<!tpu.dma_semaphore, #tpu.memory_space<semaphore_mem>>)
    %add3A_358 = arith.constant 2048 : i32
    %add3A_359 = arith.addi %add3A_358, %mul3A_2 : i32
    %add3A_360 = arith.constant 32 : i32
    %add3A_361 = arith.addi %add3A_359, %add3A_360 : i32
    %dma_start3A_362 = arith.constant 1 : i32
    %dma_start3A_363 = arith.constant 1 : i32
    %dma_start3A_364 = arith.constant 0 : i32
    %dma_start3A_365 = arith.constant 0 : i32
    %dma_start3A_366 = tpu.memref_slice %arg7[%dma_start3A_362, %dma_start3A_363, %dma_start3A_364, %dma_start3A_365] : memref<2x4x32x128xf32, #tpu.memory_space<vmem>> -> memref<1x1x32x128xf32, #tpu.memory_space<vmem>>
    %dma_start3A_367 = tpu.memref_squeeze %dma_start3A_366 : memref<1x1x32x128xf32, #tpu.memory_space<vmem>> -> memref<32x128xf32, #tpu.memory_space<vmem>>
    %dma_start3A_368 = arith.constant 0 : i32
    %dma_start3A_369 = tpu.memref_slice %arg5[%add3A_361, %dma_start3A_368] : memref<8192x128xf32, #tpu.memory_space<hbm>> -> memref<32x128xf32, #tpu.memory_space<hbm>>
    %dma_start3A_370 = arith.constant 0 : i32
    %dma_start3A_371 = tpu.memref_slice %arg5[%add3A_361, %dma_start3A_370] : memref<8192x128xf32, #tpu.memory_space<hbm>> -> memref<32x128xf32, #tpu.memory_space<hbm>>
    %dma_start3A_372 = arith.constant 0 : i32
    %dma_start3A_373 = arith.constant 0 : i32
    %dma_start3A_374 = tpu.memref_slice %arg7[%dma_start3A_362, %dma_start3A_363, %dma_start3A_372, %dma_start3A_373] : memref<2x4x32x128xf32, #tpu.memory_space<vmem>> -> memref<1x1x32x128xf32, #tpu.memory_space<vmem>>
    %dma_start3A_375 = tpu.memref_squeeze %dma_start3A_374 : memref<1x1x32x128xf32, #tpu.memory_space<vmem>> -> memref<32x128xf32, #tpu.memory_space<vmem>>
    tpu.enqueue_dma source(%dma_start3A_375 : memref<32x128xf32, #tpu.memory_space<vmem>>) target(%dma_start3A_371 : memref<32x128xf32, #tpu.memory_space<hbm>>) target_semaphore(%arg12 : memref<!tpu.dma_semaphore, #tpu.memory_space<semaphore_mem>>)
    %add3A_376 = arith.constant 4096 : i32
    %add3A_377 = arith.addi %add3A_376, %mul3A_2 : i32
    %add3A_378 = arith.constant 32 : i32
    %add3A_379 = arith.addi %add3A_377, %add3A_378 : i32
    %dma_start3A_380 = arith.constant 1 : i32
    %dma_start3A_381 = arith.constant 2 : i32
    %dma_start3A_382 = arith.constant 0 : i32
    %dma_start3A_383 = arith.constant 0 : i32
    %dma_start3A_384 = tpu.memref_slice %arg7[%dma_start3A_380, %dma_start3A_381, %dma_start3A_382, %dma_start3A_383] : memref<2x4x32x128xf32, #tpu.memory_space<vmem>> -> memref<1x1x32x128xf32, #tpu.memory_space<vmem>>
    %dma_start3A_385 = tpu.memref_squeeze %dma_start3A_384 : memref<1x1x32x128xf32, #tpu.memory_space<vmem>> -> memref<32x128xf32, #tpu.memory_space<vmem>>
    %dma_start3A_386 = arith.constant 0 : i32
    %dma_start3A_387 = tpu.memref_slice %arg5[%add3A_379, %dma_start3A_386] : memref<8192x128xf32, #tpu.memory_space<hbm>> -> memref<32x128xf32, #tpu.memory_space<hbm>>
    %dma_start3A_388 = arith.constant 0 : i32
    %dma_start3A_389 = tpu.memref_slice %arg5[%add3A_379, %dma_start3A_388] : memref<8192x128xf32, #tpu.memory_space<hbm>> -> memref<32x128xf32, #tpu.memory_space<hbm>>
    %dma_start3A_390 = arith.constant 0 : i32
    %dma_start3A_391 = arith.constant 0 : i32
    %dma_start3A_392 = tpu.memref_slice %arg7[%dma_start3A_380, %dma_start3A_381, %dma_start3A_390, %dma_start3A_391] : memref<2x4x32x128xf32, #tpu.memory_space<vmem>> -> memref<1x1x32x128xf32, #tpu.memory_space<vmem>>
    %dma_start3A_393 = tpu.memref_squeeze %dma_start3A_392 : memref<1x1x32x128xf32, #tpu.memory_space<vmem>> -> memref<32x128xf32, #tpu.memory_space<vmem>>
    tpu.enqueue_dma source(%dma_start3A_393 : memref<32x128xf32, #tpu.memory_space<vmem>>) target(%dma_start3A_389 : memref<32x128xf32, #tpu.memory_space<hbm>>) target_semaphore(%arg12 : memref<!tpu.dma_semaphore, #tpu.memory_space<semaphore_mem>>)
    %add3A_394 = arith.constant 6144 : i32
    %add3A_395 = arith.addi %add3A_394, %mul3A_2 : i32
    %add3A_396 = arith.constant 32 : i32
    %add3A_397 = arith.addi %add3A_395, %add3A_396 : i32
    %dma_start3A_398 = arith.constant 1 : i32
    %dma_start3A_399 = arith.constant 3 : i32
    %dma_start3A_400 = arith.constant 0 : i32
    %dma_start3A_401 = arith.constant 0 : i32
    %dma_start3A_402 = tpu.memref_slice %arg7[%dma_start3A_398, %dma_start3A_399, %dma_start3A_400, %dma_start3A_401] : memref<2x4x32x128xf32, #tpu.memory_space<vmem>> -> memref<1x1x32x128xf32, #tpu.memory_space<vmem>>
    %dma_start3A_403 = tpu.memref_squeeze %dma_start3A_402 : memref<1x1x32x128xf32, #tpu.memory_space<vmem>> -> memref<32x128xf32, #tpu.memory_space<vmem>>
    %dma_start3A_404 = arith.constant 0 : i32
    %dma_start3A_405 = tpu.memref_slice %arg5[%add3A_397, %dma_start3A_404] : memref<8192x128xf32, #tpu.memory_space<hbm>> -> memref<32x128xf32, #tpu.memory_space<hbm>>
    %dma_start3A_406 = arith.constant 0 : i32
    %dma_start3A_407 = tpu.memref_slice %arg5[%add3A_397, %dma_start3A_406] : memref<8192x128xf32, #tpu.memory_space<hbm>> -> memref<32x128xf32, #tpu.memory_space<hbm>>
    %dma_start3A_408 = arith.constant 0 : i32
    %dma_start3A_409 = arith.constant 0 : i32
    %dma_start3A_410 = tpu.memref_slice %arg7[%dma_start3A_398, %dma_start3A_399, %dma_start3A_408, %dma_start3A_409] : memref<2x4x32x128xf32, #tpu.memory_space<vmem>> -> memref<1x1x32x128xf32, #tpu.memory_space<vmem>>
    %dma_start3A_411 = tpu.memref_squeeze %dma_start3A_410 : memref<1x1x32x128xf32, #tpu.memory_space<vmem>> -> memref<32x128xf32, #tpu.memory_space<vmem>>
    tpu.enqueue_dma source(%dma_start3A_411 : memref<32x128xf32, #tpu.memory_space<vmem>>) target(%dma_start3A_407 : memref<32x128xf32, #tpu.memory_space<hbm>>) target_semaphore(%arg12 : memref<!tpu.dma_semaphore, #tpu.memory_space<semaphore_mem>>)
    %dma_wait3A_412 = arith.constant 0 : i32
    %dma_wait3A_413 = arith.constant 0 : i32
    %dma_wait3A_414 = arith.constant 0 : i32
    %dma_wait3A_415 = arith.constant 0 : i32
    %dma_wait3A_416 = tpu.memref_slice %arg7[%dma_wait3A_412, %dma_wait3A_413, %dma_wait3A_414, %dma_wait3A_415] : memref<2x4x32x128xf32, #tpu.memory_space<vmem>> -> memref<1x1x32x128xf32, #tpu.memory_space<vmem>>
    %dma_wait3A_417 = tpu.memref_squeeze %dma_wait3A_416 : memref<1x1x32x128xf32, #tpu.memory_space<vmem>> -> memref<32x128xf32, #tpu.memory_space<vmem>>
    %dma_wait3A_418 = arith.constant 0 : i32
    %dma_wait3A_419 = tpu.memref_slice %arg5[%add3A_221, %dma_wait3A_418] : memref<8192x128xf32, #tpu.memory_space<hbm>> -> memref<32x128xf32, #tpu.memory_space<hbm>>
    %dma_wait3A_420 = arith.constant 0 : i32
    %dma_wait3A_421 = tpu.memref_slice %arg5[%add3A_221, %dma_wait3A_420] : memref<8192x128xf32, #tpu.memory_space<hbm>> -> memref<32x128xf32, #tpu.memory_space<hbm>>
    %dma_wait3A_422 = arith.constant 0 : i32
    %dma_wait3A_423 = arith.constant 0 : i32
    %dma_wait3A_424 = tpu.memref_slice %arg7[%dma_wait3A_412, %dma_wait3A_413, %dma_wait3A_422, %dma_wait3A_423] : memref<2x4x32x128xf32, #tpu.memory_space<vmem>> -> memref<1x1x32x128xf32, #tpu.memory_space<vmem>>
    %dma_wait3A_425 = tpu.memref_squeeze %dma_wait3A_424 : memref<1x1x32x128xf32, #tpu.memory_space<vmem>> -> memref<32x128xf32, #tpu.memory_space<vmem>>
    tpu.wait_dma2 semaphore(%arg12 : memref<!tpu.dma_semaphore, #tpu.memory_space<semaphore_mem>>) src(%dma_wait3A_425 : memref<32x128xf32, #tpu.memory_space<vmem>>) dst(%dma_wait3A_421 : memref<32x128xf32, #tpu.memory_space<hbm>>)
    %dma_wait3A_426 = arith.constant 0 : i32
    %dma_wait3A_427 = arith.constant 1 : i32
    %dma_wait3A_428 = arith.constant 0 : i32
    %dma_wait3A_429 = arith.constant 0 : i32
    %dma_wait3A_430 = tpu.memref_slice %arg7[%dma_wait3A_426, %dma_wait3A_427, %dma_wait3A_428, %dma_wait3A_429] : memref<2x4x32x128xf32, #tpu.memory_space<vmem>> -> memref<1x1x32x128xf32, #tpu.memory_space<vmem>>
    %dma_wait3A_431 = tpu.memref_squeeze %dma_wait3A_430 : memref<1x1x32x128xf32, #tpu.memory_space<vmem>> -> memref<32x128xf32, #tpu.memory_space<vmem>>
    %dma_wait3A_432 = arith.constant 0 : i32
    %dma_wait3A_433 = tpu.memref_slice %arg5[%add3A_239, %dma_wait3A_432] : memref<8192x128xf32, #tpu.memory_space<hbm>> -> memref<32x128xf32, #tpu.memory_space<hbm>>
    %dma_wait3A_434 = arith.constant 0 : i32
    %dma_wait3A_435 = tpu.memref_slice %arg5[%add3A_239, %dma_wait3A_434] : memref<8192x128xf32, #tpu.memory_space<hbm>> -> memref<32x128xf32, #tpu.memory_space<hbm>>
    %dma_wait3A_436 = arith.constant 0 : i32
    %dma_wait3A_437 = arith.constant 0 : i32
    %dma_wait3A_438 = tpu.memref_slice %arg7[%dma_wait3A_426, %dma_wait3A_427, %dma_wait3A_436, %dma_wait3A_437] : memref<2x4x32x128xf32, #tpu.memory_space<vmem>> -> memref<1x1x32x128xf32, #tpu.memory_space<vmem>>
    %dma_wait3A_439 = tpu.memref_squeeze %dma_wait3A_438 : memref<1x1x32x128xf32, #tpu.memory_space<vmem>> -> memref<32x128xf32, #tpu.memory_space<vmem>>
    tpu.wait_dma2 semaphore(%arg12 : memref<!tpu.dma_semaphore, #tpu.memory_space<semaphore_mem>>) src(%dma_wait3A_439 : memref<32x128xf32, #tpu.memory_space<vmem>>) dst(%dma_wait3A_435 : memref<32x128xf32, #tpu.memory_space<hbm>>)
    %dma_wait3A_440 = arith.constant 0 : i32
    %dma_wait3A_441 = arith.constant 2 : i32
    %dma_wait3A_442 = arith.constant 0 : i32
    %dma_wait3A_443 = arith.constant 0 : i32
    %dma_wait3A_444 = tpu.memref_slice %arg7[%dma_wait3A_440, %dma_wait3A_441, %dma_wait3A_442, %dma_wait3A_443] : memref<2x4x32x128xf32, #tpu.memory_space<vmem>> -> memref<1x1x32x128xf32, #tpu.memory_space<vmem>>
    %dma_wait3A_445 = tpu.memref_squeeze %dma_wait3A_444 : memref<1x1x32x128xf32, #tpu.memory_space<vmem>> -> memref<32x128xf32, #tpu.memory_space<vmem>>
    %dma_wait3A_446 = arith.constant 0 : i32
    %dma_wait3A_447 = tpu.memref_slice %arg5[%add3A_257, %dma_wait3A_446] : memref<8192x128xf32, #tpu.memory_space<hbm>> -> memref<32x128xf32, #tpu.memory_space<hbm>>
    %dma_wait3A_448 = arith.constant 0 : i32
    %dma_wait3A_449 = tpu.memref_slice %arg5[%add3A_257, %dma_wait3A_448] : memref<8192x128xf32, #tpu.memory_space<hbm>> -> memref<32x128xf32, #tpu.memory_space<hbm>>
    %dma_wait3A_450 = arith.constant 0 : i32
    %dma_wait3A_451 = arith.constant 0 : i32
    %dma_wait3A_452 = tpu.memref_slice %arg7[%dma_wait3A_440, %dma_wait3A_441, %dma_wait3A_450, %dma_wait3A_451] : memref<2x4x32x128xf32, #tpu.memory_space<vmem>> -> memref<1x1x32x128xf32, #tpu.memory_space<vmem>>
    %dma_wait3A_453 = tpu.memref_squeeze %dma_wait3A_452 : memref<1x1x32x128xf32, #tpu.memory_space<vmem>> -> memref<32x128xf32, #tpu.memory_space<vmem>>
    tpu.wait_dma2 semaphore(%arg12 : memref<!tpu.dma_semaphore, #tpu.memory_space<semaphore_mem>>) src(%dma_wait3A_453 : memref<32x128xf32, #tpu.memory_space<vmem>>) dst(%dma_wait3A_449 : memref<32x128xf32, #tpu.memory_space<hbm>>)
    %dma_wait3A_454 = arith.constant 0 : i32
    %dma_wait3A_455 = arith.constant 3 : i32
    %dma_wait3A_456 = arith.constant 0 : i32
    %dma_wait3A_457 = arith.constant 0 : i32
    %dma_wait3A_458 = tpu.memref_slice %arg7[%dma_wait3A_454, %dma_wait3A_455, %dma_wait3A_456, %dma_wait3A_457] : memref<2x4x32x128xf32, #tpu.memory_space<vmem>> -> memref<1x1x32x128xf32, #tpu.memory_space<vmem>>
    %dma_wait3A_459 = tpu.memref_squeeze %dma_wait3A_458 : memref<1x1x32x128xf32, #tpu.memory_space<vmem>> -> memref<32x128xf32, #tpu.memory_space<vmem>>
    %dma_wait3A_460 = arith.constant 0 : i32
    %dma_wait3A_461 = tpu.memref_slice %arg5[%add3A_275, %dma_wait3A_460] : memref<8192x128xf32, #tpu.memory_space<hbm>> -> memref<32x128xf32, #tpu.memory_space<hbm>>
    %dma_wait3A_462 = arith.constant 0 : i32
    %dma_wait3A_463 = tpu.memref_slice %arg5[%add3A_275, %dma_wait3A_462] : memref<8192x128xf32, #tpu.memory_space<hbm>> -> memref<32x128xf32, #tpu.memory_space<hbm>>
    %dma_wait3A_464 = arith.constant 0 : i32
    %dma_wait3A_465 = arith.constant 0 : i32
    %dma_wait3A_466 = tpu.memref_slice %arg7[%dma_wait3A_454, %dma_wait3A_455, %dma_wait3A_464, %dma_wait3A_465] : memref<2x4x32x128xf32, #tpu.memory_space<vmem>> -> memref<1x1x32x128xf32, #tpu.memory_space<vmem>>
    %dma_wait3A_467 = tpu.memref_squeeze %dma_wait3A_466 : memref<1x1x32x128xf32, #tpu.memory_space<vmem>> -> memref<32x128xf32, #tpu.memory_space<vmem>>
    tpu.wait_dma2 semaphore(%arg12 : memref<!tpu.dma_semaphore, #tpu.memory_space<semaphore_mem>>) src(%dma_wait3A_467 : memref<32x128xf32, #tpu.memory_space<vmem>>) dst(%dma_wait3A_463 : memref<32x128xf32, #tpu.memory_space<hbm>>)
    %dma_wait3A_468 = arith.constant 1 : i32
    %dma_wait3A_469 = arith.constant 0 : i32
    %dma_wait3A_470 = arith.constant 0 : i32
    %dma_wait3A_471 = arith.constant 0 : i32
    %dma_wait3A_472 = tpu.memref_slice %arg7[%dma_wait3A_468, %dma_wait3A_469, %dma_wait3A_470, %dma_wait3A_471] : memref<2x4x32x128xf32, #tpu.memory_space<vmem>> -> memref<1x1x32x128xf32, #tpu.memory_space<vmem>>
    %dma_wait3A_473 = tpu.memref_squeeze %dma_wait3A_472 : memref<1x1x32x128xf32, #tpu.memory_space<vmem>> -> memref<32x128xf32, #tpu.memory_space<vmem>>
    %dma_wait3A_474 = arith.constant 0 : i32
    %dma_wait3A_475 = tpu.memref_slice %arg5[%add3A_343, %dma_wait3A_474] : memref<8192x128xf32, #tpu.memory_space<hbm>> -> memref<32x128xf32, #tpu.memory_space<hbm>>
    %dma_wait3A_476 = arith.constant 0 : i32
    %dma_wait3A_477 = tpu.memref_slice %arg5[%add3A_343, %dma_wait3A_476] : memref<8192x128xf32, #tpu.memory_space<hbm>> -> memref<32x128xf32, #tpu.memory_space<hbm>>
    %dma_wait3A_478 = arith.constant 0 : i32
    %dma_wait3A_479 = arith.constant 0 : i32
    %dma_wait3A_480 = tpu.memref_slice %arg7[%dma_wait3A_468, %dma_wait3A_469, %dma_wait3A_478, %dma_wait3A_479] : memref<2x4x32x128xf32, #tpu.memory_space<vmem>> -> memref<1x1x32x128xf32, #tpu.memory_space<vmem>>
    %dma_wait3A_481 = tpu.memref_squeeze %dma_wait3A_480 : memref<1x1x32x128xf32, #tpu.memory_space<vmem>> -> memref<32x128xf32, #tpu.memory_space<vmem>>
    tpu.wait_dma2 semaphore(%arg12 : memref<!tpu.dma_semaphore, #tpu.memory_space<semaphore_mem>>) src(%dma_wait3A_481 : memref<32x128xf32, #tpu.memory_space<vmem>>) dst(%dma_wait3A_477 : memref<32x128xf32, #tpu.memory_space<hbm>>)
    %dma_wait3A_482 = arith.constant 1 : i32
    %dma_wait3A_483 = arith.constant 1 : i32
    %dma_wait3A_484 = arith.constant 0 : i32
    %dma_wait3A_485 = arith.constant 0 : i32
    %dma_wait3A_486 = tpu.memref_slice %arg7[%dma_wait3A_482, %dma_wait3A_483, %dma_wait3A_484, %dma_wait3A_485] : memref<2x4x32x128xf32, #tpu.memory_space<vmem>> -> memref<1x1x32x128xf32, #tpu.memory_space<vmem>>
    %dma_wait3A_487 = tpu.memref_squeeze %dma_wait3A_486 : memref<1x1x32x128xf32, #tpu.memory_space<vmem>> -> memref<32x128xf32, #tpu.memory_space<vmem>>
    %dma_wait3A_488 = arith.constant 0 : i32
    %dma_wait3A_489 = tpu.memref_slice %arg5[%add3A_361, %dma_wait3A_488] : memref<8192x128xf32, #tpu.memory_space<hbm>> -> memref<32x128xf32, #tpu.memory_space<hbm>>
    %dma_wait3A_490 = arith.constant 0 : i32
    %dma_wait3A_491 = tpu.memref_slice %arg5[%add3A_361, %dma_wait3A_490] : memref<8192x128xf32, #tpu.memory_space<hbm>> -> memref<32x128xf32, #tpu.memory_space<hbm>>
    %dma_wait3A_492 = arith.constant 0 : i32
    %dma_wait3A_493 = arith.constant 0 : i32
    %dma_wait3A_494 = tpu.memref_slice %arg7[%dma_wait3A_482, %dma_wait3A_483, %dma_wait3A_492, %dma_wait3A_493] : memref<2x4x32x128xf32, #tpu.memory_space<vmem>> -> memref<1x1x32x128xf32, #tpu.memory_space<vmem>>
    %dma_wait3A_495 = tpu.memref_squeeze %dma_wait3A_494 : memref<1x1x32x128xf32, #tpu.memory_space<vmem>> -> memref<32x128xf32, #tpu.memory_space<vmem>>
    tpu.wait_dma2 semaphore(%arg12 : memref<!tpu.dma_semaphore, #tpu.memory_space<semaphore_mem>>) src(%dma_wait3A_495 : memref<32x128xf32, #tpu.memory_space<vmem>>) dst(%dma_wait3A_491 : memref<32x128xf32, #tpu.memory_space<hbm>>)
    %dma_wait3A_496 = arith.constant 1 : i32
    %dma_wait3A_497 = arith.constant 2 : i32
    %dma_wait3A_498 = arith.constant 0 : i32
    %dma_wait3A_499 = arith.constant 0 : i32
    %dma_wait3A_500 = tpu.memref_slice %arg7[%dma_wait3A_496, %dma_wait3A_497, %dma_wait3A_498, %dma_wait3A_499] : memref<2x4x32x128xf32, #tpu.memory_space<vmem>> -> memref<1x1x32x128xf32, #tpu.memory_space<vmem>>
    %dma_wait3A_501 = tpu.memref_squeeze %dma_wait3A_500 : memref<1x1x32x128xf32, #tpu.memory_space<vmem>> -> memref<32x128xf32, #tpu.memory_space<vmem>>
    %dma_wait3A_502 = arith.constant 0 : i32
    %dma_wait3A_503 = tpu.memref_slice %arg5[%add3A_379, %dma_wait3A_502] : memref<8192x128xf32, #tpu.memory_space<hbm>> -> memref<32x128xf32, #tpu.memory_space<hbm>>
    %dma_wait3A_504 = arith.constant 0 : i32
    %dma_wait3A_505 = tpu.memref_slice %arg5[%add3A_379, %dma_wait3A_504] : memref<8192x128xf32, #tpu.memory_space<hbm>> -> memref<32x128xf32, #tpu.memory_space<hbm>>
    %dma_wait3A_506 = arith.constant 0 : i32
    %dma_wait3A_507 = arith.constant 0 : i32
    %dma_wait3A_508 = tpu.memref_slice %arg7[%dma_wait3A_496, %dma_wait3A_497, %dma_wait3A_506, %dma_wait3A_507] : memref<2x4x32x128xf32, #tpu.memory_space<vmem>> -> memref<1x1x32x128xf32, #tpu.memory_space<vmem>>
    %dma_wait3A_509 = tpu.memref_squeeze %dma_wait3A_508 : memref<1x1x32x128xf32, #tpu.memory_space<vmem>> -> memref<32x128xf32, #tpu.memory_space<vmem>>
    tpu.wait_dma2 semaphore(%arg12 : memref<!tpu.dma_semaphore, #tpu.memory_space<semaphore_mem>>) src(%dma_wait3A_509 : memref<32x128xf32, #tpu.memory_space<vmem>>) dst(%dma_wait3A_505 : memref<32x128xf32, #tpu.memory_space<hbm>>)
    %dma_wait3A_510 = arith.constant 1 : i32
    %dma_wait3A_511 = arith.constant 3 : i32
    %dma_wait3A_512 = arith.constant 0 : i32
    %dma_wait3A_513 = arith.constant 0 : i32
    %dma_wait3A_514 = tpu.memref_slice %arg7[%dma_wait3A_510, %dma_wait3A_511, %dma_wait3A_512, %dma_wait3A_513] : memref<2x4x32x128xf32, #tpu.memory_space<vmem>> -> memref<1x1x32x128xf32, #tpu.memory_space<vmem>>
    %dma_wait3A_515 = tpu.memref_squeeze %dma_wait3A_514 : memref<1x1x32x128xf32, #tpu.memory_space<vmem>> -> memref<32x128xf32, #tpu.memory_space<vmem>>
    %dma_wait3A_516 = arith.constant 0 : i32
    %dma_wait3A_517 = tpu.memref_slice %arg5[%add3A_397, %dma_wait3A_516] : memref<8192x128xf32, #tpu.memory_space<hbm>> -> memref<32x128xf32, #tpu.memory_space<hbm>>
    %dma_wait3A_518 = arith.constant 0 : i32
    %dma_wait3A_519 = tpu.memref_slice %arg5[%add3A_397, %dma_wait3A_518] : memref<8192x128xf32, #tpu.memory_space<hbm>> -> memref<32x128xf32, #tpu.memory_space<hbm>>
    %dma_wait3A_520 = arith.constant 0 : i32
    %dma_wait3A_521 = arith.constant 0 : i32
    %dma_wait3A_522 = tpu.memref_slice %arg7[%dma_wait3A_510, %dma_wait3A_511, %dma_wait3A_520, %dma_wait3A_521] : memref<2x4x32x128xf32, #tpu.memory_space<vmem>> -> memref<1x1x32x128xf32, #tpu.memory_space<vmem>>
    %dma_wait3A_523 = tpu.memref_squeeze %dma_wait3A_522 : memref<1x1x32x128xf32, #tpu.memory_space<vmem>> -> memref<32x128xf32, #tpu.memory_space<vmem>>
    tpu.wait_dma2 semaphore(%arg12 : memref<!tpu.dma_semaphore, #tpu.memory_space<semaphore_mem>>) src(%dma_wait3A_523 : memref<32x128xf32, #tpu.memory_space<vmem>>) dst(%dma_wait3A_519 : memref<32x128xf32, #tpu.memory_space<hbm>>)
    return
  }
}

</mosaic_0001>

<sc_bundles>
// kernel: kernel.3.cloned.1.call-start
scs
__scs_entry_jumppad:
0x0: {  	(pc) =	sbr.rel $0x88, $3  }
0x1: {  	(tag) =	ssettag $0x0;
	lr =	simm.s32 $0x1  }
0x2: {  	[smem:$0x3F9E] =	sst lr;
	_ =	strace $0xD0000000  }
0x3: {  	_ = 	snop  }
0x4: {  	_ = 	snop  }
0x5: {  	_ = 	snop  }
0x6: {  	_ = 	snop  }
0x7: {  	_ = 	snop  }
__scs_overlays_trampoline_lowered:
0x8: {  	[smem:$0x3FAD] =	sst s0  }
0x9: {  	[smem:$0x3FAE] =	sst s1  }
0xa: {  	[smem:$0x3FAF] =	sst s2  }
0xb: {  	[smem:$0x3FB0] =	sst s3  }
0xc: {  	[smem:$0x3FB1] =	sst s4  }
0xd: {  	[smem:$0x3FB2] =	sst s5  }
0xe: {  	[smem:$0x3FB3] =	sst s6  }
0xf: {  	[smem:$0x3FB4] =	sst s7  }
0x10: {  	[smem:$0x3FB5] =	sst s8  }
0x11: {  	[smem:$0x3FB6] =	sst s9;
	s0 =	simm.s32 @!p0 $0x0  }
0x12: {  	s1 =	sld [smem:$0x3F9C];
	s0 =	simm.s32 @p0 $0x1  }
0x13: {  	[smem:$0x3FB7] =	sst s0;
	s0 =	simm.s32 @!p1 $0x0  }
0x14: {  	s2 =	sld [smem:$0x3F9B];
	s0 =	simm.s32 @p1 $0x1  }
0x15: {  	[smem:$0x3FB8] =	sst s0;
	s0 =	simm.s32 @!p2 $0x0  }
0x16: {  	s3 =	sld [smem:$0x3FDB];
	s0 =	simm.s32 @p2 $0x1  }
0x17: {  	s4 =	simm.s32 $0x1BF5;
	[smem:$0x3FBA] =	sst s0  }
0x18: {  	s0 =	sld [smem:$0x3F9D];
	_ =	swait.ge [sflag:s4], $0x0  }
0x19: {  	s7 =	sld [smem:$0x3F9E]  }
0x1a: {  	s8 =	sadd.s32 $0xFFFFE003, lr  }
0x1b: {  	s9 =	sadd.s32 $0xFFFFFEF7, lr;
	s5 =	simm.s32 $0xFFFFFFFF;
	p2 =	slt.u32 s8, $0xFFFFF086  }
0x1c: {  	p1 =	slt.u32 s9, $0xF7A;
	s5 =	simm.s32 @!p2 $0x0  }
0x1d: {  	s5 =	simm.s32 @p1 $0x1;
	p0 =	seq.s32 s7, s2  }
0x1e: {  	s7 =	smul.u32 @!p0 $0xF7A, s2;
	p2 =	seq.s32 @!p0 s5, $0x0  }
0x1f: {  	s9 =	smul.u32 $0xF7A, s1;
	s8 =	simm.s32 @!p0 $0x1BF5;
	p2 =	por !p2, p0  }
0x20: {  	[sflag:s8] =	ssyncset.s32 @!p0 $0xFFFFF086;
	s6 =	sadd.s32 @!p0 s3, s7;
	s7 =	simm.s32 @!p0 $0x108  }
0x21: {  	s3 =	sadd.s32 s3, s9;
	s6 =	sadd.s32 @!p0 $0x88, s6;
	s7 =	simm.s32 @p2 $0x1082  }
0x22: {  	[simem:s7], [sflag:s8] =	dma.local @!p0 [hbm:s6], $0xF7A  }
0x23: {  	s9 =	sor.u32 $0xD0000000, s2;
	s6 =	simm.s32 $0x108;
	_ =	swait.ge @!p0 [sflag:s8], $0x0  }
0x24: {  	s3 =	sadd.s32 $0x88, s3;
	s6 =	simm.s32 @!p1 $0x1082;
	[sflag:s4] =	ssyncset.s32 $0xFFFFF086  }
0x25: {  	[simem:s6], [sflag:s4] =	dma.local [hbm:s3], $0xF7A  }
0x26: {  	[smem:$0x3F9E] =	sst s1;
	(tag) =	ssettag s2;
	_ =	strace s9  }
0x27: {  	s1 =	sld [smem:$0x3FAE]  }
0x28: {  	s2 =	sld [smem:$0x3FAF]  }
0x29: {  	s4 =	sld [smem:$0x3FB1]  }
0x2a: {  	p0 =	seq.s32 s5, $0x0;
	s5 =	sld [smem:$0x3FB2]  }
0x2b: {  	s6 =	sld [smem:$0x3FB3]  }
0x2c: {  	s7 =	sld [smem:$0x3FB4]  }
0x2d: {  	s3 =	simm.s32 $0x108;
	s8 =	sld [smem:$0x3FB5]  }
0x2e: {  	s3 =	simm.s32 @!p0 $0x1082;
	s9 =	sld [smem:$0x3FB6]  }
0x2f: {  	lr =	sadd.s32 s0, s3;
	s0 =	sld [smem:$0x3FAD]  }
0x30: {  	s3 =	sld [smem:$0x3FB0]  }
0x31: {  	[smem:$0x3FB9] =	sst s10  }
0x32: {  	s10 =	sld [smem:$0x3FB7];
	_ =	sdelay $0x3  }
0x33: {  	p0 =	seq.s32 s10, $0x1;
	s10 =	sld [smem:$0x3FB9];
	_ =	sdelay $0x3  }
0x34: {  	[smem:$0x3FB9] =	sst s10  }
0x35: {  	s10 =	sld [smem:$0x3FB8];
	_ =	sdelay $0x3  }
0x36: {  	p1 =	seq.s32 s10, $0x1;
	s10 =	sld [smem:$0x3FB9];
	_ =	sdelay $0x3  }
0x37: {  	[smem:$0x3FB9] =	sst s10  }
0x38: {  	s10 =	sld [smem:$0x3FBA]  }
0x39: {  	_ = 	snop;
	(pc) =	sbr.ind lr, $3  }
0x3a: {  	_ = 	snop  }
0x3b: {  	_ = 	snop  }
0x3c: {  	p2 =	seq.s32 s10, $0x1;
	s10 =	sld [smem:$0x3FB9]  }
0x3d: {  	_ =	shalt  }
0x3e: {  	_ =	shalt  }
0x3f: {  	_ =	shalt  }
0x40: {  	_ =	shalt  }
0x41: {  	_ =	shalt  }
0x42: {  	_ =	shalt  }
0x43: {  	_ =	shalt  }
0x44: {  	_ =	shalt  }
0x45: {  	_ =	shalt  }
0x46: {  	_ =	shalt  }
0x47: {  	_ =	shalt  }
0x48: {  	_ =	shalt  }
0x49: {  	_ =	shalt  }
0x4a: {  	_ =	shalt  }
0x4b: {  	_ =	shalt  }
0x4c: {  	_ =	shalt  }
0x4d: {  	_ =	shalt  }
0x4e: {  	_ =	shalt  }
0x4f: {  	_ =	shalt  }
0x50: {  	_ =	shalt  }
0x51: {  	_ =	shalt  }
0x52: {  	_ =	shalt  }
0x53: {  	_ =	shalt  }
0x54: {  	_ =	shalt  }
0x55: {  	_ =	shalt  }
0x56: {  	_ =	shalt  }
0x57: {  	_ =	shalt  }
0x58: {  	_ =	shalt  }
0x59: {  	_ =	shalt  }
0x5a: {  	_ =	shalt  }
0x5b: {  	_ =	shalt  }
0x5c: {  	_ =	shalt  }
0x5d: {  	_ =	shalt  }
0x5e: {  	_ =	shalt  }
0x5f: {  	_ =	shalt  }
0x60: {  	_ =	shalt  }
0x61: {  	_ =	shalt  }
0x62: {  	_ =	shalt  }
0x63: {  	_ =	shalt  }
0x64: {  	_ =	shalt  }
0x65: {  	_ =	shalt  }
0x66: {  	_ =	shalt  }
0x67: {  	_ =	shalt  }
0x68: {  	_ =	shalt  }
0x69: {  	_ =	shalt  }
0x6a: {  	_ =	shalt  }
0x6b: {  	_ =	shalt  }
0x6c: {  	_ =	shalt  }
0x6d: {  	_ =	shalt  }
0x6e: {  	_ =	shalt  }
0x6f: {  	_ =	shalt  }
0x70: {  	_ =	shalt  }
0x71: {  	_ =	shalt  }
0x72: {  	_ =	shalt  }
0x73: {  	_ =	shalt  }
0x74: {  	_ =	shalt  }
0x75: {  	_ =	shalt  }
0x76: {  	_ =	shalt  }
0x77: {  	_ =	shalt  }
0x78: {  	_ =	shalt  }
0x79: {  	_ =	shalt  }
0x7a: {  	_ =	shalt  }
0x7b: {  	_ =	shalt  }
0x7c: {  	_ =	shalt  }
0x7d: {  	_ =	shalt  }
0x7e: {  	_ =	shalt  }
0x7f: {  	_ =	shalt  }
0x80: {  	_ =	shalt  }
0x81: {  	_ =	shalt  }
0x82: {  	_ =	shalt  }
0x83: {  	_ =	shalt  }
0x84: {  	_ =	shalt  }
0x85: {  	_ =	shalt  }
0x86: {  	_ =	shalt  }
0x87: {  	_ =	shalt  }
.Lfunc_end0:
.L_simem_size_0:
called_computation_lowered:
.L_overlay_start_0:
0x88: {  	s2 =	sld [smem:$0x3FD9]  }
0x89: {  	s3 =	sld [smem:$0x3FFE];
	_ =	sdelay $0x1  }
0x8a: {  	s1 =	srdreg.scid  }
0x8b: {  	s0 =	sand.u32 $0x1, s1  }
0x8c: {  	s18 =	sshll.u32 s0, $0xA;
	s2 =	sadd.s32 s3, s2  }
0x8d: {  	s2 =	sadd.s32 s2, s18  }
0x8e: {  	[smem:$0x3FC5] =	sst s2  }
0x8f: {  	_ = 	snop  }
0x90: {  	s2 =	sld [smem:$0x3FC9]  }
0x91: {  	s19 =	sld [smem:$0x3FC8]  }
0x92: {  	s4 =	sld [smem:$0x3FC7]  }
0x93: {  	s5 =	sld [smem:$0x3FD0];
	(tm) =	ssettm $0x1  }
0x94: {  	s6 =	sld [smem:$0x3FFB];
	_ =	sdelay $0x3  }
0x95: {  	_ =	strace s6  }
0x96: {  	s6 =	sld [smem:$0x3FFC];
	_ =	sdelay $0x3  }
0x97: {  	_ =	strace s6  }
0x98: {  	s6 =	sld [smem:$0x3FFD];
	_ =	sdelay $0x3  }
0x99: {  	_ =	strace s6  }
0x9a: {  	_ =	strace $0x8FFFFFFF  }
0x9b: {  	s20 =	sld [smem:$0x3FDB];
	_ =	sdelay $0x1  }
0x9c: {  	s7 =	simm.s32 $_scs_section_size  }
0x9d: {  	s8 =	simm.s32 $_size__tile_overlayer_lowered;
	s9 =	simm.s32 $_tile_overlayer_lowered  }
0x9e: {  	s23 =	simm.s32 $0x1BFF;
	s22 =	sshll.u32 s9, $0x1;
	s6 =	sadd.s32 s7, s20  }
0x9f: {  	s10 =	simm.s32 $0x0;
	s21 =	sshll.u32 s8, $0x1;
	s8 =	sadd.s32 s22, s6  }
0xa0: {  	[timem:s10], [sflag:s23] =	dma.local [hbm:s8], s21  }
0xa1: {  	_ =	swait.ge [sflag:s23], s21  }
0xa2: {  	s7 =	ssub.s32 $0x0, s21;
	[sflag:s23] =	ssyncset.done $0x0  }
0xa3: {  	[sflag:s23] =	ssyncadd.s32 s7;
	_ =	sdelay $0x1  }
0xa4: {  	s24 =	simm.s32 $0x1B8B  }
0xa5: {  	_ =	swait.ge [sflag:s24], $0x1  }
0xa6: {  	[sflag:s24] =	ssyncset.done $0x0  }
0xa7: {  	s25 =	simm.s32 $0x1B8E;
	[sflag:s24] =	ssyncadd.s32 $0xFFFFFFFF  }
0xa8: {  	s26 =	simm.s32 $execute0_lowered;
	[smem:$0x3FD2] =	sst s25  }
0xa9: {  	s7 =	sshll.u32 s26, $0x1;
	_ =	strace $0x80000046;
	[dreg:$0x1] =	wrdreg $0xFFFFFFFF  }
0xaa: {  	s28 =	simm.s32 $_size_execute0_lowered;
	s6 =	sadd.s32 s6, s7;
	[dreg:$0x0] =	wrdreg $0x0  }
0xab: {  	s7 =	sshll.u32 s28, $0x1;
	[dreg:$0x2] =	wrdreg s6  }
0xac: {  	[dreg:$0x3] =	wrdreg s7  }
0xad: {  	[dreg:$0x4] =	wrdreg $0xC0  }
0xae: {  	_ =	task [dreg:s10], $0x5FFFF  }
0xaf: {  	[dreg:$0x1] =	wrdreg $0xFFFFFFFF  }
0xb0: {  	[dreg:$0x0] =	wrdreg $0x60  }
0xb1: {  	[dreg:$0x2] =	wrdreg s2  }
0xb2: {  	[dreg:$0x3] =	wrdreg s19  }
0xb3: {  	[dreg:$0x4] =	wrdreg s4  }
0xb4: {  	[dreg:$0x5] =	wrdreg s5  }
0xb5: {  	[dreg:$0x6] =	wrdreg $0x9  }
0xb6: {  	_ =	task.clear_ibuf [dreg:s10], $0x7FFFF;
	_ =	strace $0x90000046  }
0xb7: {  	s29 =	simm.s32 $0x9;
	_ =	strace $0x80000048  }
0xb8: {  	_ =	swait.ge [sflag:s29], $0x1  }
0xb9: {  	[sflag:s29] =	ssyncadd.s32 $0xFFFFFFFF  }
0xba: {  	_ =	strace $0x90000048  }
0xbb: {  	_ =	sfence  }
0xbc: {  	s30 =	sld [smem:$0x0];
	_ =	sdelay $0x2  }
0xbd: {  	s31 =	sshll.u32 s1, $0xD;
	s1 =	sshrl.u32 s1, $0x2  }
0xbe: {  	s3 =	sand.u32 $0x4000, s31;
	s1 =	sadd.s32 s1, s30  }
0xbf: {  	s0 =	sor.u32 s3, s0;
	s1 =	sshll.u32 s1, $0x11  }
0xc0: {  	s0 =	sor.u32 s1, s0  }
0xc1: {  	s0 =	sadd.s32 $0x8F2B, s0  }
0xc2: {  	[sflag:s0] =	ssyncadd.remote.s32 $0x1  }
0xc3: {  	_ =	sfence.sel $0xFFFF  }
0xc4: {  	[dreg:$0x0] =	wrdreg $0xFFFFFFFF;
	(pc) =	sbr.abs _section_cstart, $3  }
0xc5: {  	[dreg:$0x1] =	wrdreg $0xFFFFFFFF  }
0xc6: {  	_ =	task.clear_ibuf [dreg:s10], $0x2FFFF;
	_ =	strace $0x9FFFFFFF  }
0xc7: {  	(tm) =	ssettm $0x7FFFFFFF  }
tec
execute0_lowered:
.L_overlay_start_1:
0x0: {  	(tag) =	ssettag $0x1  }
0x1: {  	s2 =	rddreg [dreg:$0x0]  }
0x2: {  	s1 =	rddreg [dreg:$0x1]  }
0x3: {  	s0 =	srdreg.scid;
	s6 =	rddreg [dreg:$0x2]  }
0x4: {  	s3 =	stileid.u32;
	s8 =	rddreg [dreg:$0x3]  }
0x5: {  	s20 =	simm.s32 $0xC0;
	s22 =	simm.s32 $0x1;
	s23 =	simm.s32 $0x20  }
0x6: {  	s24 =	simm.s32 $0x100;
	s28 =	simm.s32 $0x3100;
	s29 =	simm.s32 $0x4100  }
0x7: {  	s31 =	simm.s32 $0x5100;
	s30 =	simm.s32 $0x7100;
	s0 =	sand.u32 $0x1, s0  }
0x8: {  	s21 =	simm.s32 $0x3;
	s3 =	sshll.u32 s3, $0x7;
	s5 =	sshll.u32 s0, $0x6  }
0x9: {  	s0 =	ssub.s32 $0x2, s0;
	s7 =	sor.u32 s5, s3;
	s3 =	simm.s32 $0x0  }
0xa: {  	s10 =	sshrl.u32 s0, $0x1;
	s9 =	sshll.u32 s7, $0x2;
	[smem:$0x7FF] =	sst s3  }
0xb: {  	s0 =	ssub.s32 s0, s10;
	s7 =	sshll.u32 s7, $0x4;
	s4 =	sand.u32 $0x1E00, s9  }
0xc: {  	_ =	strace $0x80000047;
	s8 =	sadd.s32 s8, s7;
	s17 =	smax.u32 s0, $0x1  }
0xd: {  	s0 =	simm.s32 $0x6100;
	s4 =	sor.u32 s5, s4;
	s5 =	sor.u32 s5, s9  }
0xe: {  	s10 =	sadd.s32 $0x8000, s8;
	s11 =	sadd.s32 $0x10000, s8;
	s12 =	sadd.s32 $0x18000, s8  }
0xf: {  	s13 =	sadd.s32 $0x200, s8;
	s14 =	sadd.s32 $0x8200, s8;
	s4 =	sshrl.u32 s4, $0x3  }
0x10: {  	s15 =	sadd.s32 $0x10200, s8;
	s5 =	sshrl.u32 s5, $0x3;
	s4 =	sadd.s32 s2, s4  }
0x11: {  	s16 =	sadd.s32 $0x18200, s8;
	s26 =	sor.u32 $0x20, s5;
	s25 =	sadd.s32 $0x10, s4  }
0x12: {  	s5 =	sor.u32 $0x30, s5;
	s9 =	sadd.s32 s2, s26;
	[dreg:$0x5] =	wrdreg s25  }
0x13: {  	s2 =	sadd.s32 s2, s5;
	s26 =	simm.s32 $0x2100;
	[dreg:$0x6] =	wrdreg s9  }
0x14: {  	s5 =	simm.s32 $0x4;
	[dreg:$0x7] =	wrdreg s2;
	s9 =	sadd.s32 s6, s7  }
0x15: {  	s25 =	simm.s32 $0x1100;
	s2 =	simm.s32 $0x2;
	s6 =	simm.s32 $0x0  }
.LBB2_1:
0x16: {  	[tilespmem:s3], [sflag:$0x1] =	stream.linear.gather [hbm4b:s4+s3], $0x40, $0x38;
	[tilespmem:$0xA100] =	vst v63  }
0x17: {  	s7 =	rddreg [dreg:$0x5];
	s18 =	simm.s32 $0x40  }
0x18: {  	[tilespmem:s18], [sflag:$0x1] =	stream.linear.gather [hbm4b:s7+s3], $0x40, $0x38;
	[tilespmem:$0xA100] =	vst v63  }
0x19: {  	s19 =	simm.s32 $0x80;
	s7 =	rddreg [dreg:$0x6]  }
0x1a: {  	[tilespmem:s19], [sflag:$0x1] =	stream.linear.gather [hbm4b:s7+s3], $0x40, $0x38;
	[tilespmem:$0xA100] =	vst v63  }
0x1b: {  	s7 =	rddreg [dreg:$0x7]  }
0x1c: {  	[tilespmem:s20], [sflag:$0x1] =	stream.linear.gather [hbm4b:s7+s3], $0x40, $0x38;
	[tilespmem:$0xA100] =	vst v63  }
0x1d: {  	s7 =	simm.s32 $0x8100  }
0x1e: {  	[tilespmem:s7], [sflag:$0x2] =	stream.linear.gather [hbm4b:s9+s3], $0x2000, $0x38;
	[tilespmem:$0xA100] =	vst v63  }
0x1f: {  	_ =	swait.ge [sflag:s22], $0x40  }
0x20: {  	[sflag:s22] =	ssyncset.done $0x0  }
0x21: {  	[sflag:s22] =	ssyncadd.s32 $0xFFFFFFC0  }
0x22: {  	_ =	swait.ge [sflag:s22], $0x40  }
0x23: {  	[sflag:s22] =	ssyncset.done $0x0  }
0x24: {  	[sflag:s22] =	ssyncadd.s32 $0xFFFFFFC0  }
0x25: {  	_ =	swait.ge [sflag:s22], $0x40  }
0x26: {  	[sflag:s22] =	ssyncset.done $0x0  }
0x27: {  	[sflag:s22] =	ssyncadd.s32 $0xFFFFFFC0  }
0x28: {  	_ =	swait.ge [sflag:s22], $0x40  }
0x29: {  	[sflag:s22] =	ssyncset.done $0x0  }
0x2a: {  	[sflag:s22] =	ssyncadd.s32 $0xFFFFFFC0  }
0x2b: {  	[tilespmem:s24], [sflag:$0x3] =	stream.indirect.gather [hbm4b:s1+s23], $0x80, s3, s23, $0xb8;
	[tilespmem:$0xA100] =	vst v63  }
0x2c: {  	_ = 	snop  }
0x2d: {  	[tilespmem:s25], [sflag:$0x3] =	stream.indirect.gather [hbm4b:s1+s23], $0x80, s18, s23, $0xb8;
	[tilespmem:$0xA100] =	vst v63  }
0x2e: {  	_ = 	snop  }
0x2f: {  	[tilespmem:s26], [sflag:$0x3] =	stream.indirect.gather [hbm4b:s1+s23], $0x80, s19, s23, $0xb8;
	[tilespmem:$0xA100] =	vst v63  }
0x30: {  	_ = 	snop  }
0x31: {  	[tilespmem:s28], [sflag:$0x3] =	stream.indirect.gather [hbm4b:s1+s23], $0x80, s20, s23, $0xb8;
	[tilespmem:$0xA100] =	vst v63  }
0x32: {  	_ = 	snop  }
0x33: {  	[tilespmem:s29], [sflag:$0x3] =	stream.indirect.gather [hbm4b:s1+s23], $0x80, s23, s23, $0xb8;
	[tilespmem:$0xA100] =	vst v63  }
0x34: {  	s19 =	simm.s32 $0x60  }
0x35: {  	[tilespmem:s31], [sflag:$0x3] =	stream.indirect.gather [hbm4b:s1+s23], $0x80, s19, s23, $0xb8;
	[tilespmem:$0xA100] =	vst v63  }
0x36: {  	s18 =	simm.s32 $0xA0  }
0x37: {  	[tilespmem:s0], [sflag:$0x3] =	stream.indirect.gather [hbm4b:s1+s23], $0x80, s18, s23, $0xb8;
	[tilespmem:$0xA100] =	vst v63  }
0x38: {  	s19 =	simm.s32 $0xE0  }
0x39: {  	[tilespmem:s30], [sflag:$0x3] =	stream.indirect.gather [hbm4b:s1+s23], $0x80, s19, s23, $0xb8;
	[tilespmem:$0xA100] =	vst v63  }
0x3a: {  	_ =	swait.ge [sflag:s2], $0x2000  }
0x3b: {  	[sflag:s2] =	ssyncset.done $0x0  }
0x3c: {  	[sflag:s2] =	ssyncadd.s32 $0xFFFFE000  }
0x3d: {  	_ =	swait.ge [sflag:s21], $0x1000  }
0x3e: {  	[sflag:s21] =	ssyncset.done $0x0  }
0x3f: {  	[sflag:s21] =	ssyncadd.s32 $0xFFFFF000  }
0x40: {  	_ =	swait.ge [sflag:s21], $0x1000  }
0x41: {  	[sflag:s21] =	ssyncset.done $0x0  }
0x42: {  	[sflag:s21] =	ssyncadd.s32 $0xFFFFF000  }
0x43: {  	_ =	swait.ge [sflag:s21], $0x1000  }
0x44: {  	[sflag:s21] =	ssyncset.done $0x0  }
0x45: {  	[sflag:s21] =	ssyncadd.s32 $0xFFFFF000  }
0x46: {  	_ =	swait.ge [sflag:s21], $0x1000  }
0x47: {  	[sflag:s21] =	ssyncset.done $0x0  }
0x48: {  	s7 =	simm.s32 $0x0;
	[sflag:s21] =	ssyncadd.s32 $0xFFFFF000  }
0x49: {  	v2 =	vld [tilespmem:s7+$0x8100]  }
0x4a: {  	v3 =	vld [tilespmem:s7+$0x8110]  }
0x4b: {  	v4 =	vld [tilespmem:s7+$0x8120]  }
0x4c: {  	v5 =	vld [tilespmem:s7+$0x8130]  }
0x4d: {  	v6 =	vld [tilespmem:s7+$0x8140]  }
0x4e: {  	v7 =	vld [tilespmem:s7+$0x8150]  }
0x4f: {  	v1 =	vld [tilespmem:s7+$0x8160]  }
0x50: {  	v8 =	vld [tilespmem:s7+$0x100]  }
0x51: {  	v9 =	vld [tilespmem:s7+$0x1100]  }
0x52: {  	v10 =	vld [tilespmem:s7+$0x2100]  }
0x53: {  	v11 =	vld [tilespmem:s7+$0x3100]  }
0x54: {  	v12 =	vld [tilespmem:s7+$0x110]  }
0x55: {  	v13 =	vld [tilespmem:s7+$0x1110]  }
0x56: {  	v14 =	vld [tilespmem:s7+$0x2110];
	v8 =	vadd.f32 v8, v2  }
0x57: {  	v62 =	vld [tilespmem:s7+$0x130];
	v9 =	vadd.f32 v9, v2  }
0x58: {  	v10 =	vadd.f32 v10, v2;
	v2 =	vadd.f32 v11, v2;
	[tilespmem:s7+$0x100] =	vst v8;
	v8 =	vld [tilespmem:s7+$0x3110]  }
0x59: {  	[tilespmem:s7+$0x1100] =	vst v9;
	v9 =	vld [tilespmem:s7+$0x120]  }
0x5a: {  	v11 =	vadd.f32 v12, v3;
	[tilespmem:s7+$0x3100] =	vst v2;
	v2 =	vld [tilespmem:s7+$0x2120]  }
0x5b: {  	v60 =	vadd.f32 v13, v3;
	[tilespmem:s7+$0x2100] =	vst v10;
	v10 =	vld [tilespmem:s7+$0x1120]  }
0x5c: {  	v61 =	vadd.f32 v14, v3;
	[tilespmem:s7+$0x110] =	vst v11;
	v11 =	vld [tilespmem:s7+$0x3120]  }
0x5d: {  	v0 =	vld [tilespmem:s7+$0x8170];
	[tilespmem:s7+$0x1110] =	vst v60;
	v3 =	vadd.f32 v8, v3  }
0x5e: {  	[tilespmem:s7+$0x2110] =	vst v61;
	v8 =	vld [tilespmem:s7+$0x1130];
	v9 =	vadd.f32 v9, v4  }
0x5f: {  	v2 =	vadd.f32 v2, v4;
	[tilespmem:s7+$0x3110] =	vst v3;
	v3 =	vld [tilespmem:s7+$0x2130]  }
0x60: {  	v10 =	vadd.f32 v10, v4;
	[tilespmem:s7+$0x120] =	vst v9;
	v9 =	vld [tilespmem:s7+$0x3130]  }
0x61: {  	v4 =	vadd.f32 v11, v4;
	v11 =	vadd.f32 v62, v5;
	[tilespmem:s7+$0x2120] =	vst v2;
	v2 =	vld [tilespmem:s7+$0x1140]  }
0x62: {  	[tilespmem:s7+$0x1120] =	vst v10;
	v10 =	vld [tilespmem:s7+$0x140]  }
0x63: {  	[tilespmem:s7+$0x130] =	vst v11;
	v11 =	vld [tilespmem:s7+$0x3140];
	v8 =	vadd.f32 v8, v5  }
0x64: {  	[tilespmem:s7+$0x3120] =	vst v4;
	v4 =	vld [tilespmem:s7+$0x2140];
	v3 =	vadd.f32 v3, v5  }
0x65: {  	[tilespmem:s7+$0x1130] =	vst v8;
	v8 =	vld [tilespmem:s7+$0x150];
	v5 =	vadd.f32 v9, v5  }
0x66: {  	v9 =	vld [tilespmem:s7+$0x1150];
	v2 =	vadd.f32 v2, v6;
	[tilespmem:s7+$0x2130] =	vst v3  }
0x67: {  	v3 =	vadd.f32 v10, v6;
	[tilespmem:s7+$0x3130] =	vst v5;
	v5 =	vld [tilespmem:s7+$0x2150]  }
0x68: {  	v10 =	vld [tilespmem:s7+$0x3150];
	[tilespmem:s7+$0x1140] =	vst v2;
	v2 =	vadd.f32 v11, v6  }
0x69: {  	v63 =	vld [tilespmem:s7+$0x160];
	[tilespmem:s7+$0x140] =	vst v3;
	v3 =	vadd.f32 v4, v6  }
0x6a: {  	v6 =	vld [tilespmem:s7+$0x1160];
	[tilespmem:s7+$0x3140] =	vst v2;
	v4 =	vadd.f32 v8, v7  }
0x6b: {  	v8 =	vadd.f32 v9, v7;
	[tilespmem:s7+$0x2140] =	vst v3;
	v3 =	vld [tilespmem:s7+$0x2160]  }
0x6c: {  	v2 =	vld [tilespmem:s7+$0x3160];
	[tilespmem:s7+$0x150] =	vst v4;
	v5 =	vadd.f32 v5, v7  }
0x6d: {  	[tilespmem:s7+$0x1150] =	vst v8;
	v4 =	vld [tilespmem:s7+$0x170];
	v7 =	vadd.f32 v10, v7  }
0x6e: {  	v8 =	vadd.f32 v63, v1;
	[tilespmem:s7+$0x2150] =	vst v5;
	v5 =	vld [tilespmem:s7+$0x1170]  }
0x6f: {  	s18 =	simm.s32 $0x200;
	[tilespmem:s7+$0x3150] =	vst v7;
	v7 =	vadd.f32 v6, v1;
	v6 =	vld [tilespmem:s7+$0x2170]  }
.LBB2_2:
0x70: {  	s19 =	sshra.s32 s18, $0x2;
	p0 =	sne.s32 s18, $0x3E00;
	[tilespmem:s7+$0x160] =	vst v8;
	v3 =	vadd.f32 v3, v1;
	v8 =	vld [tilespmem:s7+$0x3170]  }
0x71: {  	v9 =	vld [tilespmem:s19+$0x8100];
	[tilespmem:s7+$0x1160] =	vst v7;
	v1 =	vadd.f32 v2, v1  }
0x72: {  	v2 =	vld [tilespmem:s19+$0x8110];
	[tilespmem:s7+$0x2160] =	vst v3;
	v3 =	vadd.f32 v4, v0  }
0x73: {  	v4 =	vld [tilespmem:s19+$0x8120];
	[tilespmem:s7+$0x3160] =	vst v1;
	v1 =	vadd.f32 v5, v0  }
0x74: {  	v5 =	vld [tilespmem:s19+$0x8130];
	[tilespmem:s7+$0x170] =	vst v3;
	v3 =	vadd.f32 v6, v0  }
0x75: {  	v6 =	vld [tilespmem:s19+$0x8140];
	[tilespmem:s7+$0x1170] =	vst v1;
	v0 =	vadd.f32 v8, v0  }
0x76: {  	v7 =	vld [tilespmem:s19+$0x8150];
	[tilespmem:s7+$0x2170] =	vst v3  }
0x77: {  	v1 =	vld [tilespmem:s19+$0x8160];
	[tilespmem:s7+$0x3170] =	vst v0;
	s7 =	smov.u32 s19  }
0x78: {  	v0 =	vld [tilespmem:s7+$0x8170]  }
0x79: {  	v3 =	vld [tilespmem:s7+$0x100]  }
0x7a: {  	v8 =	vld [tilespmem:s7+$0x1100]  }
0x7b: {  	v10 =	vld [tilespmem:s7+$0x2100]  }
0x7c: {  	v11 =	vld [tilespmem:s7+$0x3100]  }
0x7d: {  	v12 =	vld [tilespmem:s7+$0x110]  }
0x7e: {  	v3 =	vadd.f32 v3, v9;
	v13 =	vld [tilespmem:s7+$0x1110]  }
0x7f: {  	v8 =	vadd.f32 v8, v9;
	v14 =	vld [tilespmem:s7+$0x2110]  }
0x80: {  	[tilespmem:s7+$0x100] =	vst v3;
	v3 =	vadd.f32 v10, v9;
	v10 =	vld [tilespmem:s7+$0x3110]  }
0x81: {  	[tilespmem:s7+$0x1100] =	vst v8;
	v8 =	vadd.f32 v11, v9;
	v9 =	vld [tilespmem:s7+$0x120]  }
0x82: {  	[tilespmem:s7+$0x2100] =	vst v3;
	v3 =	vadd.f32 v12, v2;
	v11 =	vld [tilespmem:s7+$0x1120]  }
0x83: {  	[tilespmem:s7+$0x3100] =	vst v8;
	v8 =	vadd.f32 v13, v2;
	v12 =	vld [tilespmem:s7+$0x2120]  }
0x84: {  	[tilespmem:s7+$0x110] =	vst v3;
	v3 =	vadd.f32 v14, v2;
	v13 =	vld [tilespmem:s7+$0x3120]  }
0x85: {  	[tilespmem:s7+$0x1110] =	vst v8;
	v2 =	vadd.f32 v10, v2;
	v8 =	vld [tilespmem:s7+$0x130]  }
0x86: {  	[tilespmem:s7+$0x2110] =	vst v3;
	v3 =	vadd.f32 v9, v4;
	v9 =	vld [tilespmem:s7+$0x1130]  }
0x87: {  	[tilespmem:s7+$0x3110] =	vst v2;
	v2 =	vadd.f32 v11, v4;
	v10 =	vld [tilespmem:s7+$0x2130]  }
0x88: {  	[tilespmem:s7+$0x120] =	vst v3;
	v3 =	vadd.f32 v12, v4;
	v11 =	vld [tilespmem:s7+$0x3130]  }
0x89: {  	[tilespmem:s7+$0x1120] =	vst v2;
	v2 =	vadd.f32 v13, v4;
	v4 =	vld [tilespmem:s7+$0x140]  }
0x8a: {  	[tilespmem:s7+$0x2120] =	vst v3;
	v3 =	vadd.f32 v8, v5;
	v8 =	vld [tilespmem:s7+$0x1140]  }
0x8b: {  	[tilespmem:s7+$0x3120] =	vst v2;
	v2 =	vadd.f32 v9, v5;
	v9 =	vld [tilespmem:s7+$0x2140]  }
0x8c: {  	[tilespmem:s7+$0x130] =	vst v3;
	v3 =	vadd.f32 v10, v5;
	v10 =	vld [tilespmem:s7+$0x3140]  }
0x8d: {  	[tilespmem:s7+$0x1130] =	vst v2;
	v2 =	vadd.f32 v11, v5;
	v5 =	vld [tilespmem:s7+$0x150]  }
0x8e: {  	[tilespmem:s7+$0x2130] =	vst v3;
	v3 =	vadd.f32 v4, v6;
	v4 =	vld [tilespmem:s7+$0x1150]  }
0x8f: {  	[tilespmem:s7+$0x3130] =	vst v2;
	v2 =	vadd.f32 v8, v6;
	v8 =	vld [tilespmem:s7+$0x2150]  }
0x90: {  	[tilespmem:s7+$0x140] =	vst v3;
	v3 =	vadd.f32 v9, v6;
	v9 =	vld [tilespmem:s7+$0x3150]  }
0x91: {  	[tilespmem:s7+$0x1140] =	vst v2;
	v2 =	vadd.f32 v10, v6;
	v6 =	vld [tilespmem:s7+$0x160]  }
0x92: {  	[tilespmem:s7+$0x2140] =	vst v3;
	v5 =	vadd.f32 v5, v7;
	v10 =	vld [tilespmem:s7+$0x1160]  }
.Ltmp0:
0x93: {  	[tilespmem:s7+$0x3140] =	vst v2;
	v4 =	vadd.f32 v4, v7;
	v3 =	vld [tilespmem:s7+$0x2160];
	(pc) =	sbr.rel @p0 .LBB2_2-.Ltmp0, $4  }
0x94: {  	[tilespmem:s7+$0x150] =	vst v5;
	v5 =	vadd.f32 v8, v7;
	v2 =	vld [tilespmem:s7+$0x3160]  }
0x95: {  	[tilespmem:s7+$0x1150] =	vst v4;
	v7 =	vadd.f32 v9, v7;
	v4 =	vld [tilespmem:s7+$0x170]  }
0x96: {  	[tilespmem:s7+$0x2150] =	vst v5;
	v8 =	vadd.f32 v6, v1;
	v5 =	vld [tilespmem:s7+$0x1170]  }
0x97: {  	s18 =	sadd.s32 $0x200, s18;
	[tilespmem:s7+$0x3150] =	vst v7;
	v7 =	vadd.f32 v10, v1;
	v6 =	vld [tilespmem:s7+$0x2170]  }
0x98: {  	[tilespmem:s7+$0x160] =	vst v8;
	v3 =	vadd.f32 v3, v1;
	v8 =	vld [tilespmem:s7+$0x3170]  }
0x99: {  	[tilespmem:s7+$0x1160] =	vst v7;
	v1 =	vadd.f32 v2, v1  }
0x9a: {  	[tilespmem:s7+$0x2160] =	vst v3;
	v2 =	vadd.f32 v4, v0  }
0x9b: {  	[tilespmem:s7+$0x3160] =	vst v1;
	v1 =	vadd.f32 v5, v0  }
0x9c: {  	[tilespmem:s7+$0x170] =	vst v2;
	v2 =	vadd.f32 v6, v0  }
0x9d: {  	[tilespmem:s7+$0x1170] =	vst v1;
	v0 =	vadd.f32 v8, v0  }
0x9e: {  	[tilespmem:s7+$0x2170] =	vst v2  }
0x9f: {  	s19 =	simm.s32 $0x0;
	[tilespmem:s7+$0x3170] =	vst v0  }
0xa0: {  	[hbm4b:s8+s19] =	stream.linear.scatter [tilespmem:s24], [sflag:$0x4], $0x1000, $0x38;
	[tilespmem:$0xA100] =	vst v63  }
0xa1: {  	_ = 	snop  }
0xa2: {  	[hbm4b:s10+s19] =	stream.linear.scatter [tilespmem:s25], [sflag:$0x4], $0x1000, $0x38;
	[tilespmem:$0xA100] =	vst v63  }
0xa3: {  	_ = 	snop  }
0xa4: {  	[hbm4b:s11+s19] =	stream.linear.scatter [tilespmem:s26], [sflag:$0x4], $0x1000, $0x38;
	[tilespmem:$0xA100] =	vst v63  }
0xa5: {  	_ = 	snop  }
0xa6: {  	[hbm4b:s12+s19] =	stream.linear.scatter [tilespmem:s28], [sflag:$0x4], $0x1000, $0x38;
	[tilespmem:$0xA100] =	vst v63  }
0xa7: {  	_ =	swait.ge [sflag:s21], $0x1000  }
0xa8: {  	[sflag:s21] =	ssyncset.done $0x0  }
0xa9: {  	[sflag:s21] =	ssyncadd.s32 $0xFFFFF000  }
0xaa: {  	_ =	swait.ge [sflag:s21], $0x1000  }
0xab: {  	[sflag:s21] =	ssyncset.done $0x0  }
0xac: {  	[sflag:s21] =	ssyncadd.s32 $0xFFFFF000  }
0xad: {  	_ =	swait.ge [sflag:s21], $0x1000  }
0xae: {  	[sflag:s21] =	ssyncset.done $0x0  }
0xaf: {  	[sflag:s21] =	ssyncadd.s32 $0xFFFFF000  }
0xb0: {  	_ =	swait.ge [sflag:s21], $0x1000  }
0xb1: {  	[sflag:s21] =	ssyncset.done $0x0  }
0xb2: {  	s7 =	simm.s32 $0x0;
	[sflag:s21] =	ssyncadd.s32 $0xFFFFF000  }
0xb3: {  	v2 =	vld [tilespmem:s7+$0x9100]  }
0xb4: {  	v3 =	vld [tilespmem:s7+$0x9110]  }
0xb5: {  	v4 =	vld [tilespmem:s7+$0x9120]  }
0xb6: {  	v5 =	vld [tilespmem:s7+$0x9130]  }
0xb7: {  	v6 =	vld [tilespmem:s7+$0x9140]  }
0xb8: {  	v7 =	vld [tilespmem:s7+$0x9150]  }
0xb9: {  	v1 =	vld [tilespmem:s7+$0x9160]  }
0xba: {  	v8 =	vld [tilespmem:s7+$0x4100]  }
0xbb: {  	v9 =	vld [tilespmem:s7+$0x5100]  }
0xbc: {  	v10 =	vld [tilespmem:s7+$0x6100]  }
0xbd: {  	v11 =	vld [tilespmem:s7+$0x7100]  }
0xbe: {  	v12 =	vld [tilespmem:s7+$0x4110]  }
0xbf: {  	v13 =	vld [tilespmem:s7+$0x5110]  }
0xc0: {  	v14 =	vld [tilespmem:s7+$0x6110];
	v8 =	vadd.f32 v8, v2  }
0xc1: {  	v62 =	vld [tilespmem:s7+$0x4130];
	v9 =	vadd.f32 v9, v2  }
0xc2: {  	v10 =	vadd.f32 v10, v2;
	v2 =	vadd.f32 v11, v2;
	[tilespmem:s7+$0x4100] =	vst v8;
	v8 =	vld [tilespmem:s7+$0x7110]  }
0xc3: {  	[tilespmem:s7+$0x5100] =	vst v9;
	v9 =	vld [tilespmem:s7+$0x4120]  }
0xc4: {  	v11 =	vadd.f32 v12, v3;
	[tilespmem:s7+$0x7100] =	vst v2;
	v2 =	vld [tilespmem:s7+$0x6120]  }
0xc5: {  	v60 =	vadd.f32 v13, v3;
	[tilespmem:s7+$0x6100] =	vst v10;
	v10 =	vld [tilespmem:s7+$0x5120]  }
0xc6: {  	v61 =	vadd.f32 v14, v3;
	[tilespmem:s7+$0x4110] =	vst v11;
	v11 =	vld [tilespmem:s7+$0x7120]  }
0xc7: {  	v0 =	vld [tilespmem:s7+$0x9170];
	[tilespmem:s7+$0x5110] =	vst v60;
	v3 =	vadd.f32 v8, v3  }
0xc8: {  	[tilespmem:s7+$0x6110] =	vst v61;
	v8 =	vld [tilespmem:s7+$0x5130];
	v9 =	vadd.f32 v9, v4  }
0xc9: {  	v2 =	vadd.f32 v2, v4;
	[tilespmem:s7+$0x7110] =	vst v3;
	v3 =	vld [tilespmem:s7+$0x6130]  }
0xca: {  	v10 =	vadd.f32 v10, v4;
	[tilespmem:s7+$0x4120] =	vst v9;
	v9 =	vld [tilespmem:s7+$0x7130]  }
0xcb: {  	v4 =	vadd.f32 v11, v4;
	v11 =	vadd.f32 v62, v5;
	[tilespmem:s7+$0x6120] =	vst v2;
	v2 =	vld [tilespmem:s7+$0x5140]  }
0xcc: {  	[tilespmem:s7+$0x5120] =	vst v10;
	v10 =	vld [tilespmem:s7+$0x4140]  }
0xcd: {  	[tilespmem:s7+$0x4130] =	vst v11;
	v11 =	vld [tilespmem:s7+$0x7140];
	v8 =	vadd.f32 v8, v5  }
0xce: {  	[tilespmem:s7+$0x7120] =	vst v4;
	v4 =	vld [tilespmem:s7+$0x6140];
	v3 =	vadd.f32 v3, v5  }
0xcf: {  	[tilespmem:s7+$0x5130] =	vst v8;
	v8 =	vld [tilespmem:s7+$0x4150];
	v5 =	vadd.f32 v9, v5  }
0xd0: {  	v9 =	vld [tilespmem:s7+$0x5150];
	v2 =	vadd.f32 v2, v6;
	[tilespmem:s7+$0x6130] =	vst v3  }
0xd1: {  	v3 =	vadd.f32 v10, v6;
	[tilespmem:s7+$0x7130] =	vst v5;
	v5 =	vld [tilespmem:s7+$0x6150]  }
0xd2: {  	v10 =	vld [tilespmem:s7+$0x7150];
	[tilespmem:s7+$0x5140] =	vst v2;
	v2 =	vadd.f32 v11, v6  }
0xd3: {  	v63 =	vld [tilespmem:s7+$0x4160];
	[tilespmem:s7+$0x4140] =	vst v3;
	v3 =	vadd.f32 v4, v6  }
0xd4: {  	v6 =	vld [tilespmem:s7+$0x5160];
	[tilespmem:s7+$0x7140] =	vst v2;
	v4 =	vadd.f32 v8, v7  }
0xd5: {  	v8 =	vadd.f32 v9, v7;
	[tilespmem:s7+$0x6140] =	vst v3;
	v3 =	vld [tilespmem:s7+$0x6160]  }
0xd6: {  	v2 =	vld [tilespmem:s7+$0x7160];
	[tilespmem:s7+$0x4150] =	vst v4;
	v5 =	vadd.f32 v5, v7  }
0xd7: {  	[tilespmem:s7+$0x5150] =	vst v8;
	v4 =	vld [tilespmem:s7+$0x4170];
	v7 =	vadd.f32 v10, v7  }
0xd8: {  	v8 =	vadd.f32 v63, v1;
	[tilespmem:s7+$0x6150] =	vst v5;
	v5 =	vld [tilespmem:s7+$0x5170]  }
0xd9: {  	s18 =	simm.s32 $0x200;
	[tilespmem:s7+$0x7150] =	vst v7;
	v7 =	vadd.f32 v6, v1;
	v6 =	vld [tilespmem:s7+$0x6170]  }
.LBB2_4:
0xda: {  	s19 =	sshra.s32 s18, $0x2;
	p0 =	sne.s32 s18, $0x3E00;
	[tilespmem:s7+$0x4160] =	vst v8;
	v3 =	vadd.f32 v3, v1;
	v8 =	vld [tilespmem:s7+$0x7170]  }
0xdb: {  	v9 =	vld [tilespmem:s19+$0x9100];
	[tilespmem:s7+$0x5160] =	vst v7;
	v1 =	vadd.f32 v2, v1  }
0xdc: {  	v2 =	vld [tilespmem:s19+$0x9110];
	[tilespmem:s7+$0x6160] =	vst v3;
	v3 =	vadd.f32 v4, v0  }
0xdd: {  	v4 =	vld [tilespmem:s19+$0x9120];
	[tilespmem:s7+$0x7160] =	vst v1;
	v1 =	vadd.f32 v5, v0  }
0xde: {  	v5 =	vld [tilespmem:s19+$0x9130];
	[tilespmem:s7+$0x4170] =	vst v3;
	v3 =	vadd.f32 v6, v0  }
0xdf: {  	v6 =	vld [tilespmem:s19+$0x9140];
	[tilespmem:s7+$0x5170] =	vst v1;
	v0 =	vadd.f32 v8, v0  }
0xe0: {  	v7 =	vld [tilespmem:s19+$0x9150];
	[tilespmem:s7+$0x6170] =	vst v3  }
0xe1: {  	v1 =	vld [tilespmem:s19+$0x9160];
	[tilespmem:s7+$0x7170] =	vst v0;
	s7 =	smov.u32 s19  }
0xe2: {  	v0 =	vld [tilespmem:s7+$0x9170]  }
0xe3: {  	v3 =	vld [tilespmem:s7+$0x4100]  }
0xe4: {  	v8 =	vld [tilespmem:s7+$0x5100]  }
0xe5: {  	v10 =	vld [tilespmem:s7+$0x6100]  }
0xe6: {  	v11 =	vld [tilespmem:s7+$0x7100]  }
0xe7: {  	v12 =	vld [tilespmem:s7+$0x4110]  }
0xe8: {  	v3 =	vadd.f32 v3, v9;
	v13 =	vld [tilespmem:s7+$0x5110]  }
0xe9: {  	v8 =	vadd.f32 v8, v9;
	v14 =	vld [tilespmem:s7+$0x6110]  }
0xea: {  	[tilespmem:s7+$0x4100] =	vst v3;
	v3 =	vadd.f32 v10, v9;
	v10 =	vld [tilespmem:s7+$0x7110]  }
0xeb: {  	[tilespmem:s7+$0x5100] =	vst v8;
	v8 =	vadd.f32 v11, v9;
	v9 =	vld [tilespmem:s7+$0x4120]  }
0xec: {  	[tilespmem:s7+$0x6100] =	vst v3;
	v3 =	vadd.f32 v12, v2;
	v11 =	vld [tilespmem:s7+$0x5120]  }
0xed: {  	[tilespmem:s7+$0x7100] =	vst v8;
	v8 =	vadd.f32 v13, v2;
	v12 =	vld [tilespmem:s7+$0x6120]  }
0xee: {  	[tilespmem:s7+$0x4110] =	vst v3;
	v3 =	vadd.f32 v14, v2;
	v13 =	vld [tilespmem:s7+$0x7120]  }
0xef: {  	[tilespmem:s7+$0x5110] =	vst v8;
	v2 =	vadd.f32 v10, v2;
	v8 =	vld [tilespmem:s7+$0x4130]  }
0xf0: {  	[tilespmem:s7+$0x6110] =	vst v3;
	v3 =	vadd.f32 v9, v4;
	v9 =	vld [tilespmem:s7+$0x5130]  }
0xf1: {  	[tilespmem:s7+$0x7110] =	vst v2;
	v2 =	vadd.f32 v11, v4;
	v10 =	vld [tilespmem:s7+$0x6130]  }
0xf2: {  	[tilespmem:s7+$0x4120] =	vst v3;
	v3 =	vadd.f32 v12, v4;
	v11 =	vld [tilespmem:s7+$0x7130]  }
0xf3: {  	[tilespmem:s7+$0x5120] =	vst v2;
	v2 =	vadd.f32 v13, v4;
	v4 =	vld [tilespmem:s7+$0x4140]  }
0xf4: {  	[tilespmem:s7+$0x6120] =	vst v3;
	v3 =	vadd.f32 v8, v5;
	v8 =	vld [tilespmem:s7+$0x5140]  }
0xf5: {  	[tilespmem:s7+$0x7120] =	vst v2;
	v2 =	vadd.f32 v9, v5;
	v9 =	vld [tilespmem:s7+$0x6140]  }
0xf6: {  	[tilespmem:s7+$0x4130] =	vst v3;
	v3 =	vadd.f32 v10, v5;
	v10 =	vld [tilespmem:s7+$0x7140]  }
0xf7: {  	[tilespmem:s7+$0x5130] =	vst v2;
	v2 =	vadd.f32 v11, v5;
	v5 =	vld [tilespmem:s7+$0x4150]  }
0xf8: {  	[tilespmem:s7+$0x6130] =	vst v3;
	v3 =	vadd.f32 v4, v6;
	v4 =	vld [tilespmem:s7+$0x5150]  }
0xf9: {  	[tilespmem:s7+$0x7130] =	vst v2;
	v2 =	vadd.f32 v8, v6;
	v8 =	vld [tilespmem:s7+$0x6150]  }
0xfa: {  	[tilespmem:s7+$0x4140] =	vst v3;
	v3 =	vadd.f32 v9, v6;
	v9 =	vld [tilespmem:s7+$0x7150]  }
0xfb: {  	[tilespmem:s7+$0x5140] =	vst v2;
	v2 =	vadd.f32 v10, v6;
	v6 =	vld [tilespmem:s7+$0x4160]  }
0xfc: {  	[tilespmem:s7+$0x6140] =	vst v3;
	v5 =	vadd.f32 v5, v7;
	v10 =	vld [tilespmem:s7+$0x5160]  }
.Ltmp1:
0xfd: {  	[tilespmem:s7+$0x7140] =	vst v2;
	v4 =	vadd.f32 v4, v7;
	v3 =	vld [tilespmem:s7+$0x6160];
	(pc) =	sbr.rel @p0 .LBB2_4-.Ltmp1, $4  }
0xfe: {  	[tilespmem:s7+$0x4150] =	vst v5;
	v5 =	vadd.f32 v8, v7;
	v2 =	vld [tilespmem:s7+$0x7160]  }
0xff: {  	[tilespmem:s7+$0x5150] =	vst v4;
	v7 =	vadd.f32 v9, v7;
	v4 =	vld [tilespmem:s7+$0x4170]  }
0x100: {  	[tilespmem:s7+$0x6150] =	vst v5;
	v8 =	vadd.f32 v6, v1;
	v5 =	vld [tilespmem:s7+$0x5170]  }
0x101: {  	s18 =	sadd.s32 $0x200, s18;
	[tilespmem:s7+$0x7150] =	vst v7;
	v7 =	vadd.f32 v10, v1;
	v6 =	vld [tilespmem:s7+$0x6170]  }
0x102: {  	[tilespmem:s7+$0x4160] =	vst v8;
	v3 =	vadd.f32 v3, v1;
	v58 =	vld [tilespmem:s7+$0x7170]  }
0x103: {  	[tilespmem:s7+$0x5160] =	vst v7;
	v59 =	vadd.f32 v2, v1  }
0x104: {  	[tilespmem:s7+$0x6160] =	vst v3;
	v60 =	vadd.f32 v4, v0  }
0x105: {  	[tilespmem:s7+$0x7160] =	vst v59;
	v61 =	vadd.f32 v5, v0  }
0x106: {  	[tilespmem:s7+$0x4170] =	vst v60;
	v62 =	vadd.f32 v6, v0  }
0x107: {  	[tilespmem:s7+$0x5170] =	vst v61;
	v63 =	vadd.f32 v58, v0  }
0x108: {  	[tilespmem:s7+$0x6170] =	vst v62  }
0x109: {  	[tilespmem:s7+$0x7170] =	vst v63  }
0x10a: {  	[hbm4b:s13+s3] =	stream.linear.scatter [tilespmem:s29], [sflag:$0x4], $0x1000, $0x38;
	[tilespmem:$0xA100] =	vst v63  }
0x10b: {  	_ = 	snop  }
0x10c: {  	[hbm4b:s14+s3] =	stream.linear.scatter [tilespmem:s31], [sflag:$0x4], $0x1000, $0x38;
	[tilespmem:$0xA100] =	vst v63  }
0x10d: {  	_ = 	snop  }
0x10e: {  	[hbm4b:s15+s3] =	stream.linear.scatter [tilespmem:s0], [sflag:$0x4], $0x1000, $0x38;
	[tilespmem:$0xA100] =	vst v63  }
0x10f: {  	_ = 	snop  }
0x110: {  	[hbm4b:s16+s3] =	stream.linear.scatter [tilespmem:s30], [sflag:$0x4], $0x1000, $0x38;
	[tilespmem:$0xA100] =	vst v63  }
0x111: {  	_ =	swait.ge [sflag:s5], $0x1000  }
0x112: {  	[sflag:s5] =	ssyncset.done $0x0  }
0x113: {  	[sflag:s5] =	ssyncadd.s32 $0xFFFFF000  }
0x114: {  	_ =	swait.ge [sflag:s5], $0x1000  }
0x115: {  	[sflag:s5] =	ssyncset.done $0x0  }
0x116: {  	[sflag:s5] =	ssyncadd.s32 $0xFFFFF000  }
0x117: {  	_ =	swait.ge [sflag:s5], $0x1000  }
0x118: {  	[sflag:s5] =	ssyncset.done $0x0  }
0x119: {  	[sflag:s5] =	ssyncadd.s32 $0xFFFFF000  }
0x11a: {  	_ =	swait.ge [sflag:s5], $0x1000  }
0x11b: {  	[sflag:s5] =	ssyncset.done $0x0  }
0x11c: {  	[sflag:s5] =	ssyncadd.s32 $0xFFFFF000  }
0x11d: {  	_ =	swait.ge [sflag:s5], $0x1000  }
0x11e: {  	[sflag:s5] =	ssyncset.done $0x0  }
0x11f: {  	[sflag:s5] =	ssyncadd.s32 $0xFFFFF000  }
0x120: {  	_ =	swait.ge [sflag:s5], $0x1000  }
0x121: {  	[sflag:s5] =	ssyncset.done $0x0  }
0x122: {  	s6 =	sadd.s32 $0x1, s6;
	[sflag:s5] =	ssyncadd.s32 $0xFFFFF000  }
0x123: {  	p0 =	sne.s32 s6, s17;
	_ =	swait.ge [sflag:s5], $0x1000  }
.Ltmp2:
0x124: {  	[sflag:s5] =	ssyncset.done $0x0;
	(pc) =	sbr.rel @p0 .LBB2_1-.Ltmp2, $4  }
0x125: {  	[sflag:s5] =	ssyncadd.s32 $0xFFFFF000  }
0x126: {  	_ =	swait.ge [sflag:s5], $0x1000  }
0x127: {  	[sflag:s5] =	ssyncset.done $0x0  }
0x128: {  	[sflag:s5] =	ssyncadd.s32 $0xFFFFF000  }
0x129: {  	_ =	sfence.sel $0x180000  }
0x12a: {  	[bflag:$0x0] =	sbarrier.arrive $0xFFFF  }
0x12b: {  	_ =	strace $0x90000047  }
0x12c: {  	s0 =	stileid.u32;
	[bflag:$0x2] =	sbarrier.arrive $0xFFFF  }
0x12d: {  	p0 =	sne.s32 s0, $0x0;
	s0 =	rddreg [dreg:$0x4]  }
0x12e: {  	s0 =	sadd.s32 @!p0 $0x100000, s0  }
0x12f: {  	[sflag:s0] =	ssyncadd.tile.s32 @!p0 $0x1;
	_ =	shalt  }
.Lfunc_end2:
_tile_overlayer_lowered:
.L_overlay_start_2:
0x130: {  	(tag) =	ssettag $0x2  }
0x131: {  	s0 =	rddreg [dreg:$0x0];
	s2 =	stileid.u32  }
0x132: {  	s1 =	rddreg [dreg:$0x1];
	p0 =	sne.s32 s2, $0x0  }
0x133: {  	s3 =	rddreg [dreg:$0x2];
	[bflag:$0x3] =	sbarrier.arrive $0xFFFF;
	s2 =	simm.s32 @!p0 $0x1C05  }
0x134: {  	[timem:s3], [sflag:s2] =	dma.local @!p0 [hbm:s0], s1  }
0x135: {  	s0 =	simm.s32 @!p0 $0x5  }
0x136: {  	_ =	swait.ge @!p0 [sflag:s0], s1  }
0x137: {  	s1 =	ssub.s32 @!p0 $0x0, s1;
	[sflag:s0] =	ssyncset.done @!p0 $0x0  }
0x138: {  	[sflag:s0] =	ssyncadd.s32 @!p0 s1  }
0x139: {  	[bflag:$0x3] =	sbarrier.arrive $0xFFFF  }
0x13a: {  	_ =	shalt  }

</sc_bundles>
